<compile_context>
chip_gen: v7x
topology: tpu7x:2x2x1
jax: 0.10.2.dev20260603
libtpu: 0.0.44.dev20260713+nightly
codegen_flags: <defaults>
</compile_context>

<pallas_src>
import functools
import math

import jax
import jax.numpy as jnp
from jax import lax
from jax.experimental import pallas as pl
from jax.experimental.pallas import tpu as pltpu
from jax.experimental.pallas import tpu_sc as plsc

N = 4194304
MAXS = 512
NBINS = MAXS + 1
BPAD = 528
LANES = 16
NC, NS = 2, 16
NW = NC * NS
PER_W = N // NW
CHUNK = 32768
NCHUNK = PER_W // CHUNK
VPC = CHUNK // LANES
HSIZE = LANES * BPAD
TROWS, TCOLS = 32768, 128
TGRID = 16

_mesh = plsc.VectorSubcoreMesh(core_axis_name="c", subcore_axis_name="s")


@functools.partial(
    pl.kernel,
    out_type=jax.ShapeDtypeStruct((NW, BPAD), jnp.float32),
    mesh=_mesh,
    scratch_types=(
        pltpu.VMEM((2, CHUNK), jnp.int32),
        pltpu.VMEM((HSIZE,), jnp.float32),
        pltpu.VMEM((HSIZE,), jnp.float32),
        pltpu.VMEM((BPAD,), jnp.float32),
        pltpu.SemaphoreType.DMA,
    ),
    compiler_params=pltpu.CompilerParams(needs_layout_passes=False),
)
def _sc_hist(pred_hbm, hist_out, pred_v, hist_v, hist_w, fold_v, sem_p):
    wid = lax.axis_index("s") * NC + lax.axis_index("c")
    base = wid * PER_W

    lane_off = lax.iota(jnp.int32, LANES) * BPAD
    ones = jnp.full((LANES,), 1.0, jnp.float32)
    zeros = jnp.zeros((LANES,), jnp.float32)

    def _zero(j, carry):
        hist_v[pl.ds(j * LANES, LANES)] = zeros
        hist_w[pl.ds(j * LANES, LANES)] = zeros
        return carry
    lax.fori_loop(0, HSIZE // LANES, _zero, 0)

    def _chunk_body(buf):
        @plsc.parallel_loop(0, VPC, step=2, unroll=4)
        def _it(v):
            p0 = pred_v[buf, pl.ds(v * LANES, LANES)]
            plsc.addupdate_scatter(hist_v, [p0 + lane_off], ones)
            p1 = pred_v[buf, pl.ds((v + 1) * LANES, LANES)]
            plsc.addupdate_scatter(hist_w, [p1 + lane_off], ones)

    cps = [None, None]
    cps[0] = pltpu.async_copy(pred_hbm.at[pl.ds(base, CHUNK)], pred_v.at[0], sem_p)
    for c in range(NCHUNK):
        nb = (c + 1) % 2
        if c + 1 < NCHUNK:
            off = base + (c + 1) * CHUNK
            cps[nb] = pltpu.async_copy(pred_hbm.at[pl.ds(off, CHUNK)], pred_v.at[nb], sem_p)
        cb = c % 2
        cps[cb].wait()
        _chunk_body(cb)

    @plsc.parallel_loop(0, BPAD // LANES, step=1, unroll=2)
    def _fold(j):
        acc = jnp.zeros((LANES,), jnp.float32)
        for l in range(LANES):
            sl = pl.ds(l * BPAD + j * LANES, LANES)
            acc = acc + hist_v[sl] + hist_w[sl]
        fold_v[pl.ds(j * LANES, LANES)] = acc

    pltpu.sync_copy(fold_v, hist_out.at[wid])


def _mom_body(t_ref, out_ref):
    i = pl.program_id(0)

    @pl.when(i == 0)
    def _init():
        out_ref[0] = 0.0
        out_ref[1] = 0.0

    x = t_ref[...]
    out_ref[0] += jnp.sum(x)
    out_ref[1] += jnp.sum(x * x)


_tc_mom = pl.pallas_call(
    _mom_body,
    grid=(TGRID,),
    in_specs=[pl.BlockSpec((TROWS // TGRID, TCOLS), lambda i: (i, 0))],
    out_specs=pl.BlockSpec(memory_space=pltpu.SMEM),
    out_shape=jax.ShapeDtypeStruct((2,), jnp.float32),
)


def _loss_body(mom_ref, hp_ref, out_ref):
    n = jnp.float32(N)
    s = mom_ref[0]
    q = mom_ref[1]
    mu = s / n
    var = (q - s * mu) / (n - 1.0)
    sigma = jnp.sqrt(var)
    hist = jnp.sum(hp_ref[...], axis=0, keepdims=True)
    xi = lax.broadcasted_iota(jnp.int32, (1, BPAD), 1)
    xs = xi.astype(jnp.float32)
    mask = xi < NBINS
    z = (xs - mu) / sigma
    logp = -0.5 * z * z - jnp.log(sigma) - jnp.float32(0.5 * math.log(2.0 * math.pi))
    d = jnp.where(mask, jnp.exp(logp), 0.0)
    denom = jnp.maximum(jnp.sum(jnp.abs(hist)), 1e-12)
    pdist = hist / denom
    pw = jnp.where(mask, jnp.exp(d) * (d - pdist), 0.0)
    out_ref[0] = jnp.sum(pw) / jnp.float32(NBINS)


_tc_loss = pl.pallas_call(
    _loss_body,
    in_specs=[
        pl.BlockSpec(memory_space=pltpu.SMEM),
        pl.BlockSpec((NW, BPAD), lambda: (0, 0)),
    ],
    out_specs=pl.BlockSpec(memory_space=pltpu.SMEM),
    out_shape=jax.ShapeDtypeStruct((1,), jnp.float32),
)


def kernel(rt_pred, rt_true):
    hp = _sc_hist(rt_pred)
    mom = _tc_mom(rt_true.reshape(TROWS, TCOLS))
    out = _tc_loss(mom, hp)
    return out[0]

# --- scband reference (transcript-rebuilt; emitter-appended) ---
"""Pipeline reference for scband-cognitive-loss-65575560675743 (READ-ONLY COPY).

The authoritative reference and input builder live on the scoring server;
editing this copy changes nothing except your own understanding.
"""

import jax, jax.numpy as jnp
import numpy as np

MAX_STEPS = 512
N = 4194304


def setup_inputs(seed: int = 0) -> dict:
    key = jax.random.key(seed)
    k1, k2 = jax.random.split(key)
    rt_pred = jax.random.randint(k1, (N,), 0, MAX_STEPS + 1)
    # rt_true is conceptually digitized response times; kept float32 (the torch
    # module immediately calls .float() on it) so it can carry gradients.
    rt_true = jax.random.randint(k2, (N,), 0, MAX_STEPS + 1).astype(jnp.float32)
    return {"rt_pred": rt_pred, "rt_true": rt_true}


def reference(rt_pred, rt_true):
    max_steps = MAX_STEPS
    # rt_true_norm = Normal(mean, std) ; torch std is unbiased (ddof=1)
    mu = jnp.mean(rt_true)
    sigma = jnp.std(rt_true, ddof=1)
    xs = jnp.arange(0, max_steps + 1, dtype=jnp.float32)
    log_prob = -0.5 * ((xs - mu) / sigma) ** 2 - jnp.log(sigma) - 0.5 * jnp.log(2.0 * jnp.pi)
    rt_true_dist = jnp.exp(log_prob)
    # torch.unique(return_counts=True) + scatter-add of counts == bincount;
    # implemented as a scatter-add so it maps to SparseCore.
    cnt = jnp.zeros((max_steps + 1,), dtype=jnp.float32).at[rt_pred].add(1.0)
    # F.normalize(p=1, dim=0) with eps=1e-12
    denom = jnp.maximum(jnp.sum(jnp.abs(cnt)), 1e-12)
    rt_pred_dist = cnt / denom
    # nn.KLDivLoss(reduction='batchmean', log_target=True):
    #   pointwise = exp(target) * (target - input); batchmean divides by size(0).
    # NOTE: faithful to the original code, which passes probabilities (not
    # log-probs) for both arguments; we reproduce that exactly.
    pointwise = jnp.exp(rt_true_dist) * (rt_true_dist - rt_pred_dist)
    loss = jnp.sum(pointwise) / jnp.float32(max_steps + 1)
    return loss

if __name__ == "__main__":
    import jax
    _d = setup_inputs()
    print(jax.jit(kernel)(*tuple(_d.values())))

</pallas_src>

<mosaic_0001>
#map = affine_map<(d0, d1) -> (0)>
#map1 = affine_map<(d0, d1) -> (0, 0)>
module attributes {stable_mosaic.version = 14 : i64} {
  func.func @_sc_hist(%arg0: i32, %arg1: i32, %arg2: memref<4194304xi32, #tpu.memory_space<hbm>>, %arg3: memref<32x528xf32, #tpu.memory_space<hbm>>, %arg4: memref<2x32768xi32, #tpu.memory_space<vmem>>, %arg5: memref<8448xf32, #tpu.memory_space<vmem>>, %arg6: memref<8448xf32, #tpu.memory_space<vmem>>, %arg7: memref<528xf32, #tpu.memory_space<vmem>>, %arg8: memref<!tpu.dma_semaphore, #tpu.memory_space<semaphore_mem>>) attributes {dimension_semantics = [#tpu.dimension_semantics<core_parallel>, #tpu.dimension_semantics<subcore_parallel>], iteration_bounds = array<i64: 2, 16>, scalar_prefetch = 0 : i64, scratch_operands = 5 : i64, tpu.core_type = #tpu.core_type<sc_vector_subcore>, window_params = [{transform_indices = #map}, {transform_indices = #map1}]} {
    %mul3A = arith.constant 2 : i32
    %mul3A_0 = arith.muli %arg1, %mul3A : i32
    %add3A = arith.addi %mul3A_0, %arg0 : i32
    %mul3A_1 = arith.constant 131072 : i32
    %mul3A_2 = arith.muli %add3A, %mul3A_1 : i32
    %iota3A = tpu.iota {dimensions = array<i32: 0>} : vector<16xi32>
    %mul3A_3 = arith.constant 528 : i32
    %mul3A_4 = vector.broadcast %mul3A_3 : i32 to vector<16xi32>
    %mul3A_5 = arith.muli %iota3A, %mul3A_4 : vector<16xi32>
    %broadcast_in_dim3A = arith.constant 1.000000e+00 : f32
    %broadcast_in_dim3A_6 = vector.broadcast %broadcast_in_dim3A : f32 to vector<16xf32>
    %broadcast_in_dim3A_7 = arith.constant 0.000000e+00 : f32
    %broadcast_in_dim3A_8 = vector.broadcast %broadcast_in_dim3A_7 : f32 to vector<16xf32>
    %scan3A = arith.constant 0 : i32
    %scan3A_9 = arith.constant 0 : i32
    %scan3A_10 = arith.constant 528 : i32
    %scan3A_11 = arith.addi %scan3A_9, %scan3A_10 : i32
    %scan3A_12 = arith.constant 1 : i32
    scf.for %scan3A_104 = %scan3A_9 to %scan3A_11 step %scan3A_12  : i32 {
      %mul3A_105 = arith.constant 16 : i32
      %mul3A_106 = arith.muli %scan3A_104, %mul3A_105 : i32
      %swap3A = arith.index_cast %mul3A_106 : i32 to index
      %swap3A_107 = tpu.vector_load %arg5[%swap3A] {strides = array<i32>} : memref<8448xf32, #tpu.memory_space<vmem>>, vector<16xf32>,
      tpu.vector_store %arg5[%swap3A], %broadcast_in_dim3A_8 {strides = array<i32>} : memref<8448xf32, #tpu.memory_space<vmem>>, vector<16xf32>,
      %mul3A_108 = arith.constant 16 : i32
      %mul3A_109 = arith.muli %scan3A_104, %mul3A_108 : i32
      %swap3A_110 = arith.index_cast %mul3A_109 : i32 to index
      %swap3A_111 = tpu.vector_load %arg6[%swap3A_110] {strides = array<i32>} : memref<8448xf32, #tpu.memory_space<vmem>>, vector<16xf32>,
      tpu.vector_store %arg6[%swap3A_110], %broadcast_in_dim3A_8 {strides = array<i32>} : memref<8448xf32, #tpu.memory_space<vmem>>, vector<16xf32>,
    }
    %scan3A_13 = arith.constant 528 : i32
    %dma_start3A = arith.constant 0 : i32
    %dma_start3A_14 = arith.constant 0 : i32
    %dma_start3A_15 = tpu.memref_slice %arg4[%dma_start3A, %dma_start3A_14] : memref<2x32768xi32, #tpu.memory_space<vmem>> -> memref<1x32768xi32, #tpu.memory_space<vmem>>
    %dma_start3A_16 = tpu.memref_squeeze %dma_start3A_15 : memref<1x32768xi32, #tpu.memory_space<vmem>> -> memref<32768xi32, #tpu.memory_space<vmem>>
    %dma_start3A_17 = tpu.memref_slice %arg2[%mul3A_2] : memref<4194304xi32, #tpu.memory_space<hbm>> -> memref<32768xi32, #tpu.memory_space<hbm>>
    %dma_start3A_18 = arith.constant 0 : i32
    %dma_start3A_19 = tpu.memref_slice %arg4[%dma_start3A, %dma_start3A_18] : memref<2x32768xi32, #tpu.memory_space<vmem>> -> memref<1x32768xi32, #tpu.memory_space<vmem>>
    %dma_start3A_20 = tpu.memref_squeeze %dma_start3A_19 : memref<1x32768xi32, #tpu.memory_space<vmem>> -> memref<32768xi32, #tpu.memory_space<vmem>>
    %dma_start3A_21 = tpu.memref_slice %arg2[%mul3A_2] : memref<4194304xi32, #tpu.memory_space<hbm>> -> memref<32768xi32, #tpu.memory_space<hbm>>
    tpu.enqueue_dma source(%dma_start3A_21 : memref<32768xi32, #tpu.memory_space<hbm>>) target(%dma_start3A_20 : memref<32768xi32, #tpu.memory_space<vmem>>) target_semaphore(%arg8 : memref<!tpu.dma_semaphore, #tpu.memory_space<semaphore_mem>>)
    %add3A_22 = arith.constant 32768 : i32
    %add3A_23 = arith.addi %mul3A_2, %add3A_22 : i32
    %dma_start3A_24 = arith.constant 1 : i32
    %dma_start3A_25 = arith.constant 0 : i32
    %dma_start3A_26 = tpu.memref_slice %arg4[%dma_start3A_24, %dma_start3A_25] : memref<2x32768xi32, #tpu.memory_space<vmem>> -> memref<1x32768xi32, #tpu.memory_space<vmem>>
    %dma_start3A_27 = tpu.memref_squeeze %dma_start3A_26 : memref<1x32768xi32, #tpu.memory_space<vmem>> -> memref<32768xi32, #tpu.memory_space<vmem>>
    %dma_start3A_28 = tpu.memref_slice %arg2[%add3A_23] : memref<4194304xi32, #tpu.memory_space<hbm>> -> memref<32768xi32, #tpu.memory_space<hbm>>
    %dma_start3A_29 = arith.constant 0 : i32
    %dma_start3A_30 = tpu.memref_slice %arg4[%dma_start3A_24, %dma_start3A_29] : memref<2x32768xi32, #tpu.memory_space<vmem>> -> memref<1x32768xi32, #tpu.memory_space<vmem>>
    %dma_start3A_31 = tpu.memref_squeeze %dma_start3A_30 : memref<1x32768xi32, #tpu.memory_space<vmem>> -> memref<32768xi32, #tpu.memory_space<vmem>>
    %dma_start3A_32 = tpu.memref_slice %arg2[%add3A_23] : memref<4194304xi32, #tpu.memory_space<hbm>> -> memref<32768xi32, #tpu.memory_space<hbm>>
    tpu.enqueue_dma source(%dma_start3A_32 : memref<32768xi32, #tpu.memory_space<hbm>>) target(%dma_start3A_31 : memref<32768xi32, #tpu.memory_space<vmem>>) target_semaphore(%arg8 : memref<!tpu.dma_semaphore, #tpu.memory_space<semaphore_mem>>)
    %dma_wait3A = arith.constant 0 : i32
    %dma_wait3A_33 = arith.constant 0 : i32
    %dma_wait3A_34 = tpu.memref_slice %arg4[%dma_wait3A, %dma_wait3A_33] : memref<2x32768xi32, #tpu.memory_space<vmem>> -> memref<1x32768xi32, #tpu.memory_space<vmem>>
    %dma_wait3A_35 = tpu.memref_squeeze %dma_wait3A_34 : memref<1x32768xi32, #tpu.memory_space<vmem>> -> memref<32768xi32, #tpu.memory_space<vmem>>
    %dma_wait3A_36 = tpu.memref_slice %arg2[%mul3A_2] : memref<4194304xi32, #tpu.memory_space<hbm>> -> memref<32768xi32, #tpu.memory_space<hbm>>
    %dma_wait3A_37 = arith.constant 0 : i32
    %dma_wait3A_38 = tpu.memref_slice %arg4[%dma_wait3A, %dma_wait3A_37] : memref<2x32768xi32, #tpu.memory_space<vmem>> -> memref<1x32768xi32, #tpu.memory_space<vmem>>
    %dma_wait3A_39 = tpu.memref_squeeze %dma_wait3A_38 : memref<1x32768xi32, #tpu.memory_space<vmem>> -> memref<32768xi32, #tpu.memory_space<vmem>>
    %dma_wait3A_40 = tpu.memref_slice %arg2[%mul3A_2] : memref<4194304xi32, #tpu.memory_space<hbm>> -> memref<32768xi32, #tpu.memory_space<hbm>>
    tpu.wait_dma2 semaphore(%arg8 : memref<!tpu.dma_semaphore, #tpu.memory_space<semaphore_mem>>) src(%dma_wait3A_40 : memref<32768xi32, #tpu.memory_space<hbm>>) dst(%dma_wait3A_39 : memref<32768xi32, #tpu.memory_space<vmem>>)
    %parallel_loop3A = arith.constant 0 : i32
    %parallel_loop3A_41 = arith.constant 2048 : i32
    %parallel_loop3A_42 = arith.constant 2 : i32
    scf.for %parallel_loop3A_104 = %parallel_loop3A to %parallel_loop3A_41 step %parallel_loop3A_42  : i32 {
      %parallel_loop3A_105 = arith.constant 16 : i32
      %parallel_loop3A_106 = arith.muli %parallel_loop3A_104, %parallel_loop3A_105 : i32
      %parallel_loop3A_107 = arith.constant 0 : i32
      %parallel_loop3A_108 = arith.index_cast %parallel_loop3A_107 : i32 to index
      %parallel_loop3A_109 = arith.index_cast %parallel_loop3A_106 : i32 to index
      %parallel_loop3A_110 = tpu.vector_load %arg4[%parallel_loop3A_108, %parallel_loop3A_109] {strides = array<i32>} : memref<2x32768xi32, #tpu.memory_space<vmem>>, vector<16xi32>,
      %parallel_loop3A_111 = arith.addi %parallel_loop3A_110, %mul3A_5 : vector<16xi32>
      tpu.vector_store_idx %arg5[%parallel_loop3A_111], %broadcast_in_dim3A_6 {add = true} : memref<8448xf32, #tpu.memory_space<vmem>>[vector<16xi32>], vector<16xf32>,
      %parallel_loop3A_112 = arith.constant 1 : i32
      %parallel_loop3A_113 = arith.addi %parallel_loop3A_104, %parallel_loop3A_112 : i32
      %parallel_loop3A_114 = arith.constant 16 : i32
      %parallel_loop3A_115 = arith.muli %parallel_loop3A_113, %parallel_loop3A_114 : i32
      %parallel_loop3A_116 = arith.constant 0 : i32
      %parallel_loop3A_117 = arith.index_cast %parallel_loop3A_116 : i32 to index
      %parallel_loop3A_118 = arith.index_cast %parallel_loop3A_115 : i32 to index
      %parallel_loop3A_119 = tpu.vector_load %arg4[%parallel_loop3A_117, %parallel_loop3A_118] {strides = array<i32>} : memref<2x32768xi32, #tpu.memory_space<vmem>>, vector<16xi32>,
      %parallel_loop3A_120 = arith.addi %parallel_loop3A_119, %mul3A_5 : vector<16xi32>
      tpu.vector_store_idx %arg6[%parallel_loop3A_120], %broadcast_in_dim3A_6 {add = true} : memref<8448xf32, #tpu.memory_space<vmem>>[vector<16xi32>], vector<16xf32>,
    } {sc.loop_unroll_factor = 4 : i64, sc.parallel_access}
    %add3A_43 = arith.constant 65536 : i32
    %add3A_44 = arith.addi %mul3A_2, %add3A_43 : i32
    %dma_start3A_45 = arith.constant 0 : i32
    %dma_start3A_46 = arith.constant 0 : i32
    %dma_start3A_47 = tpu.memref_slice %arg4[%dma_start3A_45, %dma_start3A_46] : memref<2x32768xi32, #tpu.memory_space<vmem>> -> memref<1x32768xi32, #tpu.memory_space<vmem>>
    %dma_start3A_48 = tpu.memref_squeeze %dma_start3A_47 : memref<1x32768xi32, #tpu.memory_space<vmem>> -> memref<32768xi32, #tpu.memory_space<vmem>>
    %dma_start3A_49 = tpu.memref_slice %arg2[%add3A_44] : memref<4194304xi32, #tpu.memory_space<hbm>> -> memref<32768xi32, #tpu.memory_space<hbm>>
    %dma_start3A_50 = arith.constant 0 : i32
    %dma_start3A_51 = tpu.memref_slice %arg4[%dma_start3A_45, %dma_start3A_50] : memref<2x32768xi32, #tpu.memory_space<vmem>> -> memref<1x32768xi32, #tpu.memory_space<vmem>>
    %dma_start3A_52 = tpu.memref_squeeze %dma_start3A_51 : memref<1x32768xi32, #tpu.memory_space<vmem>> -> memref<32768xi32, #tpu.memory_space<vmem>>
    %dma_start3A_53 = tpu.memref_slice %arg2[%add3A_44] : memref<4194304xi32, #tpu.memory_space<hbm>> -> memref<32768xi32, #tpu.memory_space<hbm>>
    tpu.enqueue_dma source(%dma_start3A_53 : memref<32768xi32, #tpu.memory_space<hbm>>) target(%dma_start3A_52 : memref<32768xi32, #tpu.memory_space<vmem>>) target_semaphore(%arg8 : memref<!tpu.dma_semaphore, #tpu.memory_space<semaphore_mem>>)
    %dma_wait3A_54 = arith.constant 1 : i32
    %dma_wait3A_55 = arith.constant 0 : i32
    %dma_wait3A_56 = tpu.memref_slice %arg4[%dma_wait3A_54, %dma_wait3A_55] : memref<2x32768xi32, #tpu.memory_space<vmem>> -> memref<1x32768xi32, #tpu.memory_space<vmem>>
    %dma_wait3A_57 = tpu.memref_squeeze %dma_wait3A_56 : memref<1x32768xi32, #tpu.memory_space<vmem>> -> memref<32768xi32, #tpu.memory_space<vmem>>
    %dma_wait3A_58 = tpu.memref_slice %arg2[%add3A_23] : memref<4194304xi32, #tpu.memory_space<hbm>> -> memref<32768xi32, #tpu.memory_space<hbm>>
    %dma_wait3A_59 = arith.constant 0 : i32
    %dma_wait3A_60 = tpu.memref_slice %arg4[%dma_wait3A_54, %dma_wait3A_59] : memref<2x32768xi32, #tpu.memory_space<vmem>> -> memref<1x32768xi32, #tpu.memory_space<vmem>>
    %dma_wait3A_61 = tpu.memref_squeeze %dma_wait3A_60 : memref<1x32768xi32, #tpu.memory_space<vmem>> -> memref<32768xi32, #tpu.memory_space<vmem>>
    %dma_wait3A_62 = tpu.memref_slice %arg2[%add3A_23] : memref<4194304xi32, #tpu.memory_space<hbm>> -> memref<32768xi32, #tpu.memory_space<hbm>>
    tpu.wait_dma2 semaphore(%arg8 : memref<!tpu.dma_semaphore, #tpu.memory_space<semaphore_mem>>) src(%dma_wait3A_62 : memref<32768xi32, #tpu.memory_space<hbm>>) dst(%dma_wait3A_61 : memref<32768xi32, #tpu.memory_space<vmem>>)
    %parallel_loop3A_63 = arith.constant 0 : i32
    %parallel_loop3A_64 = arith.constant 2048 : i32
    %parallel_loop3A_65 = arith.constant 2 : i32
    scf.for %parallel_loop3A_104 = %parallel_loop3A_63 to %parallel_loop3A_64 step %parallel_loop3A_65  : i32 {
      %parallel_loop3A_105 = arith.constant 16 : i32
      %parallel_loop3A_106 = arith.muli %parallel_loop3A_104, %parallel_loop3A_105 : i32
      %parallel_loop3A_107 = arith.constant 1 : i32
      %parallel_loop3A_108 = arith.index_cast %parallel_loop3A_107 : i32 to index
      %parallel_loop3A_109 = arith.index_cast %parallel_loop3A_106 : i32 to index
      %parallel_loop3A_110 = tpu.vector_load %arg4[%parallel_loop3A_108, %parallel_loop3A_109] {strides = array<i32>} : memref<2x32768xi32, #tpu.memory_space<vmem>>, vector<16xi32>,
      %parallel_loop3A_111 = arith.addi %parallel_loop3A_110, %mul3A_5 : vector<16xi32>
      tpu.vector_store_idx %arg5[%parallel_loop3A_111], %broadcast_in_dim3A_6 {add = true} : memref<8448xf32, #tpu.memory_space<vmem>>[vector<16xi32>], vector<16xf32>,
      %parallel_loop3A_112 = arith.constant 1 : i32
      %parallel_loop3A_113 = arith.addi %parallel_loop3A_104, %parallel_loop3A_112 : i32
      %parallel_loop3A_114 = arith.constant 16 : i32
      %parallel_loop3A_115 = arith.muli %parallel_loop3A_113, %parallel_loop3A_114 : i32
      %parallel_loop3A_116 = arith.constant 1 : i32
      %parallel_loop3A_117 = arith.index_cast %parallel_loop3A_116 : i32 to index
      %parallel_loop3A_118 = arith.index_cast %parallel_loop3A_115 : i32 to index
      %parallel_loop3A_119 = tpu.vector_load %arg4[%parallel_loop3A_117, %parallel_loop3A_118] {strides = array<i32>} : memref<2x32768xi32, #tpu.memory_space<vmem>>, vector<16xi32>,
      %parallel_loop3A_120 = arith.addi %parallel_loop3A_119, %mul3A_5 : vector<16xi32>
      tpu.vector_store_idx %arg6[%parallel_loop3A_120], %broadcast_in_dim3A_6 {add = true} : memref<8448xf32, #tpu.memory_space<vmem>>[vector<16xi32>], vector<16xf32>,
    } {sc.loop_unroll_factor = 4 : i64, sc.parallel_access}
    %add3A_66 = arith.constant 98304 : i32
    %add3A_67 = arith.addi %mul3A_2, %add3A_66 : i32
    %dma_start3A_68 = arith.constant 1 : i32
    %dma_start3A_69 = arith.constant 0 : i32
    %dma_start3A_70 = tpu.memref_slice %arg4[%dma_start3A_68, %dma_start3A_69] : memref<2x32768xi32, #tpu.memory_space<vmem>> -> memref<1x32768xi32, #tpu.memory_space<vmem>>
    %dma_start3A_71 = tpu.memref_squeeze %dma_start3A_70 : memref<1x32768xi32, #tpu.memory_space<vmem>> -> memref<32768xi32, #tpu.memory_space<vmem>>
    %dma_start3A_72 = tpu.memref_slice %arg2[%add3A_67] : memref<4194304xi32, #tpu.memory_space<hbm>> -> memref<32768xi32, #tpu.memory_space<hbm>>
    %dma_start3A_73 = arith.constant 0 : i32
    %dma_start3A_74 = tpu.memref_slice %arg4[%dma_start3A_68, %dma_start3A_73] : memref<2x32768xi32, #tpu.memory_space<vmem>> -> memref<1x32768xi32, #tpu.memory_space<vmem>>
    %dma_start3A_75 = tpu.memref_squeeze %dma_start3A_74 : memref<1x32768xi32, #tpu.memory_space<vmem>> -> memref<32768xi32, #tpu.memory_space<vmem>>
    %dma_start3A_76 = tpu.memref_slice %arg2[%add3A_67] : memref<4194304xi32, #tpu.memory_space<hbm>> -> memref<32768xi32, #tpu.memory_space<hbm>>
    tpu.enqueue_dma source(%dma_start3A_76 : memref<32768xi32, #tpu.memory_space<hbm>>) target(%dma_start3A_75 : memref<32768xi32, #tpu.memory_space<vmem>>) target_semaphore(%arg8 : memref<!tpu.dma_semaphore, #tpu.memory_space<semaphore_mem>>)
    %dma_wait3A_77 = arith.constant 0 : i32
    %dma_wait3A_78 = arith.constant 0 : i32
    %dma_wait3A_79 = tpu.memref_slice %arg4[%dma_wait3A_77, %dma_wait3A_78] : memref<2x32768xi32, #tpu.memory_space<vmem>> -> memref<1x32768xi32, #tpu.memory_space<vmem>>
    %dma_wait3A_80 = tpu.memref_squeeze %dma_wait3A_79 : memref<1x32768xi32, #tpu.memory_space<vmem>> -> memref<32768xi32, #tpu.memory_space<vmem>>
    %dma_wait3A_81 = tpu.memref_slice %arg2[%add3A_44] : memref<4194304xi32, #tpu.memory_space<hbm>> -> memref<32768xi32, #tpu.memory_space<hbm>>
    %dma_wait3A_82 = arith.constant 0 : i32
    %dma_wait3A_83 = tpu.memref_slice %arg4[%dma_wait3A_77, %dma_wait3A_82] : memref<2x32768xi32, #tpu.memory_space<vmem>> -> memref<1x32768xi32, #tpu.memory_space<vmem>>
    %dma_wait3A_84 = tpu.memref_squeeze %dma_wait3A_83 : memref<1x32768xi32, #tpu.memory_space<vmem>> -> memref<32768xi32, #tpu.memory_space<vmem>>
    %dma_wait3A_85 = tpu.memref_slice %arg2[%add3A_44] : memref<4194304xi32, #tpu.memory_space<hbm>> -> memref<32768xi32, #tpu.memory_space<hbm>>
    tpu.wait_dma2 semaphore(%arg8 : memref<!tpu.dma_semaphore, #tpu.memory_space<semaphore_mem>>) src(%dma_wait3A_85 : memref<32768xi32, #tpu.memory_space<hbm>>) dst(%dma_wait3A_84 : memref<32768xi32, #tpu.memory_space<vmem>>)
    %parallel_loop3A_86 = arith.constant 0 : i32
    %parallel_loop3A_87 = arith.constant 2048 : i32
    %parallel_loop3A_88 = arith.constant 2 : i32
    scf.for %parallel_loop3A_104 = %parallel_loop3A_86 to %parallel_loop3A_87 step %parallel_loop3A_88  : i32 {
      %parallel_loop3A_105 = arith.constant 16 : i32
      %parallel_loop3A_106 = arith.muli %parallel_loop3A_104, %parallel_loop3A_105 : i32
      %parallel_loop3A_107 = arith.constant 0 : i32
      %parallel_loop3A_108 = arith.index_cast %parallel_loop3A_107 : i32 to index
      %parallel_loop3A_109 = arith.index_cast %parallel_loop3A_106 : i32 to index
      %parallel_loop3A_110 = tpu.vector_load %arg4[%parallel_loop3A_108, %parallel_loop3A_109] {strides = array<i32>} : memref<2x32768xi32, #tpu.memory_space<vmem>>, vector<16xi32>,
      %parallel_loop3A_111 = arith.addi %parallel_loop3A_110, %mul3A_5 : vector<16xi32>
      tpu.vector_store_idx %arg5[%parallel_loop3A_111], %broadcast_in_dim3A_6 {add = true} : memref<8448xf32, #tpu.memory_space<vmem>>[vector<16xi32>], vector<16xf32>,
      %parallel_loop3A_112 = arith.constant 1 : i32
      %parallel_loop3A_113 = arith.addi %parallel_loop3A_104, %parallel_loop3A_112 : i32
      %parallel_loop3A_114 = arith.constant 16 : i32
      %parallel_loop3A_115 = arith.muli %parallel_loop3A_113, %parallel_loop3A_114 : i32
      %parallel_loop3A_116 = arith.constant 0 : i32
      %parallel_loop3A_117 = arith.index_cast %parallel_loop3A_116 : i32 to index
      %parallel_loop3A_118 = arith.index_cast %parallel_loop3A_115 : i32 to index
      %parallel_loop3A_119 = tpu.vector_load %arg4[%parallel_loop3A_117, %parallel_loop3A_118] {strides = array<i32>} : memref<2x32768xi32, #tpu.memory_space<vmem>>, vector<16xi32>,
      %parallel_loop3A_120 = arith.addi %parallel_loop3A_119, %mul3A_5 : vector<16xi32>
      tpu.vector_store_idx %arg6[%parallel_loop3A_120], %broadcast_in_dim3A_6 {add = true} : memref<8448xf32, #tpu.memory_space<vmem>>[vector<16xi32>], vector<16xf32>,
    } {sc.loop_unroll_factor = 4 : i64, sc.parallel_access}
    %dma_wait3A_89 = arith.constant 1 : i32
    %dma_wait3A_90 = arith.constant 0 : i32
    %dma_wait3A_91 = tpu.memref_slice %arg4[%dma_wait3A_89, %dma_wait3A_90] : memref<2x32768xi32, #tpu.memory_space<vmem>> -> memref<1x32768xi32, #tpu.memory_space<vmem>>
    %dma_wait3A_92 = tpu.memref_squeeze %dma_wait3A_91 : memref<1x32768xi32, #tpu.memory_space<vmem>> -> memref<32768xi32, #tpu.memory_space<vmem>>
    %dma_wait3A_93 = tpu.memref_slice %arg2[%add3A_67] : memref<4194304xi32, #tpu.memory_space<hbm>> -> memref<32768xi32, #tpu.memory_space<hbm>>
    %dma_wait3A_94 = arith.constant 0 : i32
    %dma_wait3A_95 = tpu.memref_slice %arg4[%dma_wait3A_89, %dma_wait3A_94] : memref<2x32768xi32, #tpu.memory_space<vmem>> -> memref<1x32768xi32, #tpu.memory_space<vmem>>
    %dma_wait3A_96 = tpu.memref_squeeze %dma_wait3A_95 : memref<1x32768xi32, #tpu.memory_space<vmem>> -> memref<32768xi32, #tpu.memory_space<vmem>>
    %dma_wait3A_97 = tpu.memref_slice %arg2[%add3A_67] : memref<4194304xi32, #tpu.memory_space<hbm>> -> memref<32768xi32, #tpu.memory_space<hbm>>
    tpu.wait_dma2 semaphore(%arg8 : memref<!tpu.dma_semaphore, #tpu.memory_space<semaphore_mem>>) src(%dma_wait3A_97 : memref<32768xi32, #tpu.memory_space<hbm>>) dst(%dma_wait3A_96 : memref<32768xi32, #tpu.memory_space<vmem>>)
    %parallel_loop3A_98 = arith.constant 0 : i32
    %parallel_loop3A_99 = arith.constant 2048 : i32
    %parallel_loop3A_100 = arith.constant 2 : i32
    scf.for %parallel_loop3A_104 = %parallel_loop3A_98 to %parallel_loop3A_99 step %parallel_loop3A_100  : i32 {
      %parallel_loop3A_105 = arith.constant 16 : i32
      %parallel_loop3A_106 = arith.muli %parallel_loop3A_104, %parallel_loop3A_105 : i32
      %parallel_loop3A_107 = arith.constant 1 : i32
      %parallel_loop3A_108 = arith.index_cast %parallel_loop3A_107 : i32 to index
      %parallel_loop3A_109 = arith.index_cast %parallel_loop3A_106 : i32 to index
      %parallel_loop3A_110 = tpu.vector_load %arg4[%parallel_loop3A_108, %parallel_loop3A_109] {strides = array<i32>} : memref<2x32768xi32, #tpu.memory_space<vmem>>, vector<16xi32>,
      %parallel_loop3A_111 = arith.addi %parallel_loop3A_110, %mul3A_5 : vector<16xi32>
      tpu.vector_store_idx %arg5[%parallel_loop3A_111], %broadcast_in_dim3A_6 {add = true} : memref<8448xf32, #tpu.memory_space<vmem>>[vector<16xi32>], vector<16xf32>,
      %parallel_loop3A_112 = arith.constant 1 : i32
      %parallel_loop3A_113 = arith.addi %parallel_loop3A_104, %parallel_loop3A_112 : i32
      %parallel_loop3A_114 = arith.constant 16 : i32
      %parallel_loop3A_115 = arith.muli %parallel_loop3A_113, %parallel_loop3A_114 : i32
      %parallel_loop3A_116 = arith.constant 1 : i32
      %parallel_loop3A_117 = arith.index_cast %parallel_loop3A_116 : i32 to index
      %parallel_loop3A_118 = arith.index_cast %parallel_loop3A_115 : i32 to index
      %parallel_loop3A_119 = tpu.vector_load %arg4[%parallel_loop3A_117, %parallel_loop3A_118] {strides = array<i32>} : memref<2x32768xi32, #tpu.memory_space<vmem>>, vector<16xi32>,
      %parallel_loop3A_120 = arith.addi %parallel_loop3A_119, %mul3A_5 : vector<16xi32>
      tpu.vector_store_idx %arg6[%parallel_loop3A_120], %broadcast_in_dim3A_6 {add = true} : memref<8448xf32, #tpu.memory_space<vmem>>[vector<16xi32>], vector<16xf32>,
    } {sc.loop_unroll_factor = 4 : i64, sc.parallel_access}
    %parallel_loop3A_101 = arith.constant 0 : i32
    %parallel_loop3A_102 = arith.constant 33 : i32
    %parallel_loop3A_103 = arith.constant 1 : i32
    scf.for %parallel_loop3A_104 = %parallel_loop3A_101 to %parallel_loop3A_102 step %parallel_loop3A_103  : i32 {
      %parallel_loop3A_105 = arith.constant 0.000000e+00 : f32
      %parallel_loop3A_106 = vector.broadcast %parallel_loop3A_105 : f32 to vector<16xf32>
      %parallel_loop3A_107 = arith.constant 16 : i32
      %parallel_loop3A_108 = arith.muli %parallel_loop3A_104, %parallel_loop3A_107 : i32
      %parallel_loop3A_109 = arith.constant 0 : i32
      %parallel_loop3A_110 = arith.addi %parallel_loop3A_109, %parallel_loop3A_108 : i32
      %parallel_loop3A_111 = arith.index_cast %parallel_loop3A_110 : i32 to index
      %parallel_loop3A_112 = tpu.vector_load %arg5[%parallel_loop3A_111] {strides = array<i32>} : memref<8448xf32, #tpu.memory_space<vmem>>, vector<16xf32>,
      %parallel_loop3A_113 = arith.addf %parallel_loop3A_106, %parallel_loop3A_112 : vector<16xf32>
      %parallel_loop3A_114 = arith.index_cast %parallel_loop3A_110 : i32 to index
      %parallel_loop3A_115 = tpu.vector_load %arg6[%parallel_loop3A_114] {strides = array<i32>} : memref<8448xf32, #tpu.memory_space<vmem>>, vector<16xf32>,
      %parallel_loop3A_116 = arith.addf %parallel_loop3A_113, %parallel_loop3A_115 : vector<16xf32>
      %parallel_loop3A_117 = arith.constant 16 : i32
      %parallel_loop3A_118 = arith.muli %parallel_loop3A_104, %parallel_loop3A_117 : i32
      %parallel_loop3A_119 = arith.constant 528 : i32
      %parallel_loop3A_120 = arith.addi %parallel_loop3A_119, %parallel_loop3A_118 : i32
      %parallel_loop3A_121 = arith.index_cast %parallel_loop3A_120 : i32 to index
      %parallel_loop3A_122 = tpu.vector_load %arg5[%parallel_loop3A_121] {strides = array<i32>} : memref<8448xf32, #tpu.memory_space<vmem>>, vector<16xf32>,
      %parallel_loop3A_123 = arith.addf %parallel_loop3A_116, %parallel_loop3A_122 : vector<16xf32>
      %parallel_loop3A_124 = arith.index_cast %parallel_loop3A_120 : i32 to index
      %parallel_loop3A_125 = tpu.vector_load %arg6[%parallel_loop3A_124] {strides = array<i32>} : memref<8448xf32, #tpu.memory_space<vmem>>, vector<16xf32>,
      %parallel_loop3A_126 = arith.addf %parallel_loop3A_123, %parallel_loop3A_125 : vector<16xf32>
      %parallel_loop3A_127 = arith.constant 16 : i32
      %parallel_loop3A_128 = arith.muli %parallel_loop3A_104, %parallel_loop3A_127 : i32
      %parallel_loop3A_129 = arith.constant 1056 : i32
      %parallel_loop3A_130 = arith.addi %parallel_loop3A_129, %parallel_loop3A_128 : i32
      %parallel_loop3A_131 = arith.index_cast %parallel_loop3A_130 : i32 to index
      %parallel_loop3A_132 = tpu.vector_load %arg5[%parallel_loop3A_131] {strides = array<i32>} : memref<8448xf32, #tpu.memory_space<vmem>>, vector<16xf32>,
      %parallel_loop3A_133 = arith.addf %parallel_loop3A_126, %parallel_loop3A_132 : vector<16xf32>
      %parallel_loop3A_134 = arith.index_cast %parallel_loop3A_130 : i32 to index
      %parallel_loop3A_135 = tpu.vector_load %arg6[%parallel_loop3A_134] {strides = array<i32>} : memref<8448xf32, #tpu.memory_space<vmem>>, vector<16xf32>,
      %parallel_loop3A_136 = arith.addf %parallel_loop3A_133, %parallel_loop3A_135 : vector<16xf32>
      %parallel_loop3A_137 = arith.constant 16 : i32
      %parallel_loop3A_138 = arith.muli %parallel_loop3A_104, %parallel_loop3A_137 : i32
      %parallel_loop3A_139 = arith.constant 1584 : i32
      %parallel_loop3A_140 = arith.addi %parallel_loop3A_139, %parallel_loop3A_138 : i32
      %parallel_loop3A_141 = arith.index_cast %parallel_loop3A_140 : i32 to index
      %parallel_loop3A_142 = tpu.vector_load %arg5[%parallel_loop3A_141] {strides = array<i32>} : memref<8448xf32, #tpu.memory_space<vmem>>, vector<16xf32>,
      %parallel_loop3A_143 = arith.addf %parallel_loop3A_136, %parallel_loop3A_142 : vector<16xf32>
      %parallel_loop3A_144 = arith.index_cast %parallel_loop3A_140 : i32 to index
      %parallel_loop3A_145 = tpu.vector_load %arg6[%parallel_loop3A_144] {strides = array<i32>} : memref<8448xf32, #tpu.memory_space<vmem>>, vector<16xf32>,
      %parallel_loop3A_146 = arith.addf %parallel_loop3A_143, %parallel_loop3A_145 : vector<16xf32>
      %parallel_loop3A_147 = arith.constant 16 : i32
      %parallel_loop3A_148 = arith.muli %parallel_loop3A_104, %parallel_loop3A_147 : i32
      %parallel_loop3A_149 = arith.constant 2112 : i32
      %parallel_loop3A_150 = arith.addi %parallel_loop3A_149, %parallel_loop3A_148 : i32
      %parallel_loop3A_151 = arith.index_cast %parallel_loop3A_150 : i32 to index
      %parallel_loop3A_152 = tpu.vector_load %arg5[%parallel_loop3A_151] {strides = array<i32>} : memref<8448xf32, #tpu.memory_space<vmem>>, vector<16xf32>,
      %parallel_loop3A_153 = arith.addf %parallel_loop3A_146, %parallel_loop3A_152 : vector<16xf32>
      %parallel_loop3A_154 = arith.index_cast %parallel_loop3A_150 : i32 to index
      %parallel_loop3A_155 = tpu.vector_load %arg6[%parallel_loop3A_154] {strides = array<i32>} : memref<8448xf32, #tpu.memory_space<vmem>>, vector<16xf32>,
      %parallel_loop3A_156 = arith.addf %parallel_loop3A_153, %parallel_loop3A_155 : vector<16xf32>
      %parallel_loop3A_157 = arith.constant 16 : i32
      %parallel_loop3A_158 = arith.muli %parallel_loop3A_104, %parallel_loop3A_157 : i32
      %parallel_loop3A_159 = arith.constant 2640 : i32
      %parallel_loop3A_160 = arith.addi %parallel_loop3A_159, %parallel_loop3A_158 : i32
      %parallel_loop3A_161 = arith.index_cast %parallel_loop3A_160 : i32 to index
      %parallel_loop3A_162 = tpu.vector_load %arg5[%parallel_loop3A_161] {strides = array<i32>} : memref<8448xf32, #tpu.memory_space<vmem>>, vector<16xf32>,
      %parallel_loop3A_163 = arith.addf %parallel_loop3A_156, %parallel_loop3A_162 : vector<16xf32>
      %parallel_loop3A_164 = arith.index_cast %parallel_loop3A_160 : i32 to index
      %parallel_loop3A_165 = tpu.vector_load %arg6[%parallel_loop3A_164] {strides = array<i32>} : memref<8448xf32, #tpu.memory_space<vmem>>, vector<16xf32>,
      %parallel_loop3A_166 = arith.addf %parallel_loop3A_163, %parallel_loop3A_165 : vector<16xf32>
      %parallel_loop3A_167 = arith.constant 16 : i32
      %parallel_loop3A_168 = arith.muli %parallel_loop3A_104, %parallel_loop3A_167 : i32
      %parallel_loop3A_169 = arith.constant 3168 : i32
      %parallel_loop3A_170 = arith.addi %parallel_loop3A_169, %parallel_loop3A_168 : i32
      %parallel_loop3A_171 = arith.index_cast %parallel_loop3A_170 : i32 to index
      %parallel_loop3A_172 = tpu.vector_load %arg5[%parallel_loop3A_171] {strides = array<i32>} : memref<8448xf32, #tpu.memory_space<vmem>>, vector<16xf32>,
      %parallel_loop3A_173 = arith.addf %parallel_loop3A_166, %parallel_loop3A_172 : vector<16xf32>
      %parallel_loop3A_174 = arith.index_cast %parallel_loop3A_170 : i32 to index
      %parallel_loop3A_175 = tpu.vector_load %arg6[%parallel_loop3A_174] {strides = array<i32>} : memref<8448xf32, #tpu.memory_space<vmem>>, vector<16xf32>,
      %parallel_loop3A_176 = arith.addf %parallel_loop3A_173, %parallel_loop3A_175 : vector<16xf32>
      %parallel_loop3A_177 = arith.constant 16 : i32
      %parallel_loop3A_178 = arith.muli %parallel_loop3A_104, %parallel_loop3A_177 : i32
      %parallel_loop3A_179 = arith.constant 3696 : i32
      %parallel_loop3A_180 = arith.addi %parallel_loop3A_179, %parallel_loop3A_178 : i32
      %parallel_loop3A_181 = arith.index_cast %parallel_loop3A_180 : i32 to index
      %parallel_loop3A_182 = tpu.vector_load %arg5[%parallel_loop3A_181] {strides = array<i32>} : memref<8448xf32, #tpu.memory_space<vmem>>, vector<16xf32>,
      %parallel_loop3A_183 = arith.addf %parallel_loop3A_176, %parallel_loop3A_182 : vector<16xf32>
      %parallel_loop3A_184 = arith.index_cast %parallel_loop3A_180 : i32 to index
      %parallel_loop3A_185 = tpu.vector_load %arg6[%parallel_loop3A_184] {strides = array<i32>} : memref<8448xf32, #tpu.memory_space<vmem>>, vector<16xf32>,
      %parallel_loop3A_186 = arith.addf %parallel_loop3A_183, %parallel_loop3A_185 : vector<16xf32>
      %parallel_loop3A_187 = arith.constant 16 : i32
      %parallel_loop3A_188 = arith.muli %parallel_loop3A_104, %parallel_loop3A_187 : i32
      %parallel_loop3A_189 = arith.constant 4224 : i32
      %parallel_loop3A_190 = arith.addi %parallel_loop3A_189, %parallel_loop3A_188 : i32
      %parallel_loop3A_191 = arith.index_cast %parallel_loop3A_190 : i32 to index
      %parallel_loop3A_192 = tpu.vector_load %arg5[%parallel_loop3A_191] {strides = array<i32>} : memref<8448xf32, #tpu.memory_space<vmem>>, vector<16xf32>,
      %parallel_loop3A_193 = arith.addf %parallel_loop3A_186, %parallel_loop3A_192 : vector<16xf32>
      %parallel_loop3A_194 = arith.index_cast %parallel_loop3A_190 : i32 to index
      %parallel_loop3A_195 = tpu.vector_load %arg6[%parallel_loop3A_194] {strides = array<i32>} : memref<8448xf32, #tpu.memory_space<vmem>>, vector<16xf32>,
      %parallel_loop3A_196 = arith.addf %parallel_loop3A_193, %parallel_loop3A_195 : vector<16xf32>
      %parallel_loop3A_197 = arith.constant 16 : i32
      %parallel_loop3A_198 = arith.muli %parallel_loop3A_104, %parallel_loop3A_197 : i32
      %parallel_loop3A_199 = arith.constant 4752 : i32
      %parallel_loop3A_200 = arith.addi %parallel_loop3A_199, %parallel_loop3A_198 : i32
      %parallel_loop3A_201 = arith.index_cast %parallel_loop3A_200 : i32 to index
      %parallel_loop3A_202 = tpu.vector_load %arg5[%parallel_loop3A_201] {strides = array<i32>} : memref<8448xf32, #tpu.memory_space<vmem>>, vector<16xf32>,
      %parallel_loop3A_203 = arith.addf %parallel_loop3A_196, %parallel_loop3A_202 : vector<16xf32>
      %parallel_loop3A_204 = arith.index_cast %parallel_loop3A_200 : i32 to index
      %parallel_loop3A_205 = tpu.vector_load %arg6[%parallel_loop3A_204] {strides = array<i32>} : memref<8448xf32, #tpu.memory_space<vmem>>, vector<16xf32>,
      %parallel_loop3A_206 = arith.addf %parallel_loop3A_203, %parallel_loop3A_205 : vector<16xf32>
      %parallel_loop3A_207 = arith.constant 16 : i32
      %parallel_loop3A_208 = arith.muli %parallel_loop3A_104, %parallel_loop3A_207 : i32
      %parallel_loop3A_209 = arith.constant 5280 : i32
      %parallel_loop3A_210 = arith.addi %parallel_loop3A_209, %parallel_loop3A_208 : i32
      %parallel_loop3A_211 = arith.index_cast %parallel_loop3A_210 : i32 to index
      %parallel_loop3A_212 = tpu.vector_load %arg5[%parallel_loop3A_211] {strides = array<i32>} : memref<8448xf32, #tpu.memory_space<vmem>>, vector<16xf32>,
      %parallel_loop3A_213 = arith.addf %parallel_loop3A_206, %parallel_loop3A_212 : vector<16xf32>
      %parallel_loop3A_214 = arith.index_cast %parallel_loop3A_210 : i32 to index
      %parallel_loop3A_215 = tpu.vector_load %arg6[%parallel_loop3A_214] {strides = array<i32>} : memref<8448xf32, #tpu.memory_space<vmem>>, vector<16xf32>,
      %parallel_loop3A_216 = arith.addf %parallel_loop3A_213, %parallel_loop3A_215 : vector<16xf32>
      %parallel_loop3A_217 = arith.constant 16 : i32
      %parallel_loop3A_218 = arith.muli %parallel_loop3A_104, %parallel_loop3A_217 : i32
      %parallel_loop3A_219 = arith.constant 5808 : i32
      %parallel_loop3A_220 = arith.addi %parallel_loop3A_219, %parallel_loop3A_218 : i32
      %parallel_loop3A_221 = arith.index_cast %parallel_loop3A_220 : i32 to index
      %parallel_loop3A_222 = tpu.vector_load %arg5[%parallel_loop3A_221] {strides = array<i32>} : memref<8448xf32, #tpu.memory_space<vmem>>, vector<16xf32>,
      %parallel_loop3A_223 = arith.addf %parallel_loop3A_216, %parallel_loop3A_222 : vector<16xf32>
      %parallel_loop3A_224 = arith.index_cast %parallel_loop3A_220 : i32 to index
      %parallel_loop3A_225 = tpu.vector_load %arg6[%parallel_loop3A_224] {strides = array<i32>} : memref<8448xf32, #tpu.memory_space<vmem>>, vector<16xf32>,
      %parallel_loop3A_226 = arith.addf %parallel_loop3A_223, %parallel_loop3A_225 : vector<16xf32>
      %parallel_loop3A_227 = arith.constant 16 : i32
      %parallel_loop3A_228 = arith.muli %parallel_loop3A_104, %parallel_loop3A_227 : i32
      %parallel_loop3A_229 = arith.constant 6336 : i32
      %parallel_loop3A_230 = arith.addi %parallel_loop3A_229, %parallel_loop3A_228 : i32
      %parallel_loop3A_231 = arith.index_cast %parallel_loop3A_230 : i32 to index
      %parallel_loop3A_232 = tpu.vector_load %arg5[%parallel_loop3A_231] {strides = array<i32>} : memref<8448xf32, #tpu.memory_space<vmem>>, vector<16xf32>,
      %parallel_loop3A_233 = arith.addf %parallel_loop3A_226, %parallel_loop3A_232 : vector<16xf32>
      %parallel_loop3A_234 = arith.index_cast %parallel_loop3A_230 : i32 to index
      %parallel_loop3A_235 = tpu.vector_load %arg6[%parallel_loop3A_234] {strides = array<i32>} : memref<8448xf32, #tpu.memory_space<vmem>>, vector<16xf32>,
      %parallel_loop3A_236 = arith.addf %parallel_loop3A_233, %parallel_loop3A_235 : vector<16xf32>
      %parallel_loop3A_237 = arith.constant 16 : i32
      %parallel_loop3A_238 = arith.muli %parallel_loop3A_104, %parallel_loop3A_237 : i32
      %parallel_loop3A_239 = arith.constant 6864 : i32
      %parallel_loop3A_240 = arith.addi %parallel_loop3A_239, %parallel_loop3A_238 : i32
      %parallel_loop3A_241 = arith.index_cast %parallel_loop3A_240 : i32 to index
      %parallel_loop3A_242 = tpu.vector_load %arg5[%parallel_loop3A_241] {strides = array<i32>} : memref<8448xf32, #tpu.memory_space<vmem>>, vector<16xf32>,
      %parallel_loop3A_243 = arith.addf %parallel_loop3A_236, %parallel_loop3A_242 : vector<16xf32>
      %parallel_loop3A_244 = arith.index_cast %parallel_loop3A_240 : i32 to index
      %parallel_loop3A_245 = tpu.vector_load %arg6[%parallel_loop3A_244] {strides = array<i32>} : memref<8448xf32, #tpu.memory_space<vmem>>, vector<16xf32>,
      %parallel_loop3A_246 = arith.addf %parallel_loop3A_243, %parallel_loop3A_245 : vector<16xf32>
      %parallel_loop3A_247 = arith.constant 16 : i32
      %parallel_loop3A_248 = arith.muli %parallel_loop3A_104, %parallel_loop3A_247 : i32
      %parallel_loop3A_249 = arith.constant 7392 : i32
      %parallel_loop3A_250 = arith.addi %parallel_loop3A_249, %parallel_loop3A_248 : i32
      %parallel_loop3A_251 = arith.index_cast %parallel_loop3A_250 : i32 to index
      %parallel_loop3A_252 = tpu.vector_load %arg5[%parallel_loop3A_251] {strides = array<i32>} : memref<8448xf32, #tpu.memory_space<vmem>>, vector<16xf32>,
      %parallel_loop3A_253 = arith.addf %parallel_loop3A_246, %parallel_loop3A_252 : vector<16xf32>
      %parallel_loop3A_254 = arith.index_cast %parallel_loop3A_250 : i32 to index
      %parallel_loop3A_255 = tpu.vector_load %arg6[%parallel_loop3A_254] {strides = array<i32>} : memref<8448xf32, #tpu.memory_space<vmem>>, vector<16xf32>,
      %parallel_loop3A_256 = arith.addf %parallel_loop3A_253, %parallel_loop3A_255 : vector<16xf32>
      %parallel_loop3A_257 = arith.constant 16 : i32
      %parallel_loop3A_258 = arith.muli %parallel_loop3A_104, %parallel_loop3A_257 : i32
      %parallel_loop3A_259 = arith.constant 7920 : i32
      %parallel_loop3A_260 = arith.addi %parallel_loop3A_259, %parallel_loop3A_258 : i32
      %parallel_loop3A_261 = arith.index_cast %parallel_loop3A_260 : i32 to index
      %parallel_loop3A_262 = tpu.vector_load %arg5[%parallel_loop3A_261] {strides = array<i32>} : memref<8448xf32, #tpu.memory_space<vmem>>, vector<16xf32>,
      %parallel_loop3A_263 = arith.addf %parallel_loop3A_256, %parallel_loop3A_262 : vector<16xf32>
      %parallel_loop3A_264 = arith.index_cast %parallel_loop3A_260 : i32 to index
      %parallel_loop3A_265 = tpu.vector_load %arg6[%parallel_loop3A_264] {strides = array<i32>} : memref<8448xf32, #tpu.memory_space<vmem>>, vector<16xf32>,
      %parallel_loop3A_266 = arith.addf %parallel_loop3A_263, %parallel_loop3A_265 : vector<16xf32>
      %parallel_loop3A_267 = arith.constant 16 : i32
      %parallel_loop3A_268 = arith.muli %parallel_loop3A_104, %parallel_loop3A_267 : i32
      %parallel_loop3A_269 = arith.index_cast %parallel_loop3A_268 : i32 to index
      %parallel_loop3A_270 = tpu.vector_load %arg7[%parallel_loop3A_269] {strides = array<i32>} : memref<528xf32, #tpu.memory_space<vmem>>, vector<16xf32>,
      tpu.vector_store %arg7[%parallel_loop3A_269], %parallel_loop3A_266 {strides = array<i32>} : memref<528xf32, #tpu.memory_space<vmem>>, vector<16xf32>,
    } {sc.loop_unroll_factor = 2 : i64, sc.parallel_access}
    "tpu.region"() ({
      %run_scoped3A = tpu.sem_alloc : memref<!tpu.dma_semaphore, #tpu.memory_space<semaphore_mem>>
      %dma_start3A_104 = arith.constant 0 : i32
      %dma_start3A_105 = tpu.memref_slice %arg3[%add3A, %dma_start3A_104] : memref<32x528xf32, #tpu.memory_space<hbm>> -> memref<1x528xf32, #tpu.memory_space<hbm>>
      %dma_start3A_106 = tpu.memref_squeeze %dma_start3A_105 : memref<1x528xf32, #tpu.memory_space<hbm>> -> memref<528xf32, #tpu.memory_space<hbm>>
      %dma_start3A_107 = arith.constant 0 : i32
      %dma_start3A_108 = tpu.memref_slice %arg3[%add3A, %dma_start3A_107] : memref<32x528xf32, #tpu.memory_space<hbm>> -> memref<1x528xf32, #tpu.memory_space<hbm>>
      %dma_start3A_109 = tpu.memref_squeeze %dma_start3A_108 : memref<1x528xf32, #tpu.memory_space<hbm>> -> memref<528xf32, #tpu.memory_space<hbm>>
      tpu.enqueue_dma source(%arg7 : memref<528xf32, #tpu.memory_space<vmem>>) target(%dma_start3A_109 : memref<528xf32, #tpu.memory_space<hbm>>) target_semaphore(%run_scoped3A : memref<!tpu.dma_semaphore, #tpu.memory_space<semaphore_mem>>)
      %dma_wait3A_110 = arith.constant 0 : i32
      %dma_wait3A_111 = tpu.memref_slice %arg3[%add3A, %dma_wait3A_110] : memref<32x528xf32, #tpu.memory_space<hbm>> -> memref<1x528xf32, #tpu.memory_space<hbm>>
      %dma_wait3A_112 = tpu.memref_squeeze %dma_wait3A_111 : memref<1x528xf32, #tpu.memory_space<hbm>> -> memref<528xf32, #tpu.memory_space<hbm>>
      %dma_wait3A_113 = arith.constant 0 : i32
      %dma_wait3A_114 = tpu.memref_slice %arg3[%add3A, %dma_wait3A_113] : memref<32x528xf32, #tpu.memory_space<hbm>> -> memref<1x528xf32, #tpu.memory_space<hbm>>
      %dma_wait3A_115 = tpu.memref_squeeze %dma_wait3A_114 : memref<1x528xf32, #tpu.memory_space<hbm>> -> memref<528xf32, #tpu.memory_space<hbm>>
      tpu.wait_dma2 semaphore(%run_scoped3A : memref<!tpu.dma_semaphore, #tpu.memory_space<semaphore_mem>>) src(%arg7 : memref<528xf32, #tpu.memory_space<vmem>>) dst(%dma_wait3A_115 : memref<528xf32, #tpu.memory_space<hbm>>)
      tpu.yield
    }) : () -> ()
    return
  }
}

module attributes {stable_mosaic.version = 14 : i64} {
  func.func @_loss_body(%arg0: memref<2xf32, #tpu.memory_space<smem>>, %arg1: memref<32x528xf32, #tpu.memory_space<vmem>>, %arg2: memref<1xf32, #tpu.memory_space<smem>>) attributes {dimension_semantics = [], scalar_prefetch = 0 : i64, scratch_operands = 0 : i64, tpu.core_type = #tpu.core_type<tc>} {
    %get3A = arith.constant 0 : index
    %get3A_0 = memref.load %arg0[%get3A] : memref<2xf32, #tpu.memory_space<smem>>
    %get3A_1 = arith.constant 1 : index
    %get3A_2 = memref.load %arg0[%get3A_1] : memref<2xf32, #tpu.memory_space<smem>>
    %div3A = arith.constant 0x4A800000 : f32
    %div3A_3 = arith.divf %get3A_0, %div3A : f32
    %mul3A = arith.mulf %get3A_0, %div3A_3 : f32
    %sub3A = arith.subf %get3A_2, %mul3A : f32
    %sub3A_4 = arith.constant 0x4A800000 : f32
    %sub3A_5 = arith.constant 1.000000e+00 : f32
    %sub3A_6 = arith.subf %sub3A_4, %sub3A_5 : f32
    %div3A_7 = arith.divf %sub3A, %sub3A_6 : f32
    %sqrt3A = math.sqrt %div3A_7 : f32
    %get3A_8 = arith.constant 0 : index
    %get3A_9 = arith.constant 0 : index
    %get3A_10 = vector.load %arg1[%get3A_8, %get3A_9] : memref<32x528xf32, #tpu.memory_space<vmem>>, vector<32x528xf32>
    %reduce_sum3A = arith.constant dense<0.000000e+00> : vector<528xf32>
    %reduce_sum3A_11 = vector.multi_reduction <add>, %get3A_10, %reduce_sum3A [0] : vector<32x528xf32> to vector<528xf32>
    %broadcast_in_dim3A = vector.shape_cast %reduce_sum3A_11 : vector<528xf32> to vector<1x528xf32>
    %iota3A = tpu.iota {dimensions = array<i32: 1>} : vector<1x528xi32>
    %convert_element_type3A = arith.sitofp %iota3A : vector<1x528xi32> to vector<1x528xf32>
    %lt3A = arith.constant 513 : i32
    %lt3A_12 = vector.broadcast %lt3A : i32 to vector<1x528xi32>
    %lt3A_13 = arith.cmpi slt, %iota3A, %lt3A_12 : vector<1x528xi32>
    %sub3A_14 = vector.broadcast %div3A_3 : f32 to vector<1x528xf32>
    %sub3A_15 = arith.subf %convert_element_type3A, %sub3A_14 : vector<1x528xf32>
    %div3A_16 = vector.broadcast %sqrt3A : f32 to vector<1x528xf32>
    %div3A_17 = arith.divf %sub3A_15, %div3A_16 : vector<1x528xf32>
    %mul3A_18 = arith.constant -5.000000e-01 : f32
    %mul3A_19 = vector.broadcast %mul3A_18 : f32 to vector<1x528xf32>
    %mul3A_20 = arith.mulf %mul3A_19, %div3A_17 : vector<1x528xf32>
    %mul3A_21 = arith.mulf %mul3A_20, %div3A_17 : vector<1x528xf32>
    %log3A = math.log %sqrt3A : f32
    %sub3A_22 = vector.broadcast %log3A : f32 to vector<1x528xf32>
    %sub3A_23 = arith.subf %mul3A_21, %sub3A_22 : vector<1x528xf32>
    %sub3A_24 = arith.constant 0.918938517 : f32
    %sub3A_25 = vector.broadcast %sub3A_24 : f32 to vector<1x528xf32>
    %sub3A_26 = arith.subf %sub3A_23, %sub3A_25 : vector<1x528xf32>
    %exp3A = math.exp %sub3A_26 : vector<1x528xf32>
    %jit3A = arith.constant 0.000000e+00 : f32
    %broadcast_in_dim3A_27 = vector.broadcast %jit3A : f32 to vector<1x528xf32>
    %select_n3A = arith.select %lt3A_13, %exp3A, %broadcast_in_dim3A_27 : vector<1x528xi1>, vector<1x528xf32>
    %abs3A = math.absf %broadcast_in_dim3A : vector<1x528xf32>
    %reduce_sum3A_28 = vector.shape_cast %abs3A : vector<1x528xf32> to vector<1x1x528xf32>
    %reduce_sum3A_29 = arith.constant dense<0.000000e+00> : vector<1xf32>
    %reduce_sum3A_30 = vector.multi_reduction <add>, %reduce_sum3A_28, %reduce_sum3A_29 [1, 2] : vector<1x1x528xf32> to vector<1xf32>
    %reduce_sum3A_31 = vector.shape_cast %reduce_sum3A_30 : vector<1xf32> to vector<1x1x1xf32>
    %reduce_sum3A_32 = vector.extract %reduce_sum3A_31[0, 0, 0] : f32 from vector<1x1x1xf32>
    %max3A = arith.constant 9.99999996E-13 : f32
    %max3A_33 = arith.maximumf %reduce_sum3A_32, %max3A : f32
    %div3A_34 = vector.broadcast %max3A_33 : f32 to vector<1x528xf32>
    %div3A_35 = arith.divf %broadcast_in_dim3A, %div3A_34 : vector<1x528xf32>
    %exp3A_36 = math.exp %select_n3A : vector<1x528xf32>
    %sub3A_37 = arith.subf %select_n3A, %div3A_35 : vector<1x528xf32>
    %mul3A_38 = arith.mulf %exp3A_36, %sub3A_37 : vector<1x528xf32>
    %jit3A_39 = arith.constant 0.000000e+00 : f32
    %broadcast_in_dim3A_40 = vector.broadcast %jit3A_39 : f32 to vector<1x528xf32>
    %select_n3A_41 = arith.select %lt3A_13, %mul3A_38, %broadcast_in_dim3A_40 : vector<1x528xi1>, vector<1x528xf32>
    %reduce_sum3A_42 = vector.shape_cast %select_n3A_41 : vector<1x528xf32> to vector<1x1x528xf32>
    %reduce_sum3A_43 = arith.constant dense<0.000000e+00> : vector<1xf32>
    %reduce_sum3A_44 = vector.multi_reduction <add>, %reduce_sum3A_42, %reduce_sum3A_43 [1, 2] : vector<1x1x528xf32> to vector<1xf32>
    %reduce_sum3A_45 = vector.shape_cast %reduce_sum3A_44 : vector<1xf32> to vector<1x1x1xf32>
    %reduce_sum3A_46 = vector.extract %reduce_sum3A_45[0, 0, 0] : f32 from vector<1x1x1xf32>
    %div3A_47 = arith.constant 5.130000e+02 : f32
    %div3A_48 = arith.divf %reduce_sum3A_46, %div3A_47 : f32
    %swap3A = arith.constant 0 : index
    %swap3A_49 = memref.load %arg2[%swap3A] : memref<1xf32, #tpu.memory_space<smem>>
    memref.store %div3A_48, %arg2[%swap3A] : memref<1xf32, #tpu.memory_space<smem>>
    return
  }
}

module attributes {stable_mosaic.version = 14 : i64} {
  func.func @_mom_body(%arg0: i32, %arg1: memref<2048x128xf32, #tpu.memory_space<vmem>>, %arg2: memref<2xf32, #tpu.memory_space<smem>>) attributes {dimension_semantics = [#tpu.dimension_semantics<arbitrary>], iteration_bounds = array<i64: 16>, scalar_prefetch = 0 : i64, scratch_operands = 0 : i64, tpu.core_type = #tpu.core_type<tc>, window_params = [{transform_indices = @transform_0, window_bounds = array<i64: 2048, 128>}, {transform_indices = @transform_1, window_bounds = array<i64: 2>}]} {
    %eq3A = arith.constant 0 : i32
    %eq3A_0 = arith.cmpi eq, %arg0, %eq3A : i32
    %convert_element_type3A = arith.extui %eq3A_0 : i1 to i32
    %cond3A = arith.constant 0 : i32
    %cond3A_1 = arith.cmpi ne, %convert_element_type3A, %cond3A : i32
    scf.if %cond3A_1 {
      %swap3A_21 = arith.constant 0.000000e+00 : f32
      %swap3A_22 = arith.constant 0 : index
      %swap3A_23 = memref.load %arg2[%swap3A_22] : memref<2xf32, #tpu.memory_space<smem>>
      memref.store %swap3A_21, %arg2[%swap3A_22] : memref<2xf32, #tpu.memory_space<smem>>
      %swap3A_24 = arith.constant 0.000000e+00 : f32
      %swap3A_25 = arith.constant 1 : index
      %swap3A_26 = memref.load %arg2[%swap3A_25] : memref<2xf32, #tpu.memory_space<smem>>
      memref.store %swap3A_24, %arg2[%swap3A_25] : memref<2xf32, #tpu.memory_space<smem>>
    } else {
    }
    %get3A = arith.constant 0 : index
    %get3A_2 = arith.constant 0 : index
    %get3A_3 = vector.load %arg1[%get3A, %get3A_2] : memref<2048x128xf32, #tpu.memory_space<vmem>>, vector<2048x128xf32>
    %get3A_4 = arith.constant 0 : index
    %get3A_5 = memref.load %arg2[%get3A_4] : memref<2xf32, #tpu.memory_space<smem>>
    %reduce_sum3A = vector.shape_cast %get3A_3 : vector<2048x128xf32> to vector<1x2048x128xf32>
    %reduce_sum3A_6 = arith.constant dense<0.000000e+00> : vector<1xf32>
    %reduce_sum3A_7 = vector.multi_reduction <add>, %reduce_sum3A, %reduce_sum3A_6 [1, 2] : vector<1x2048x128xf32> to vector<1xf32>
    %reduce_sum3A_8 = vector.shape_cast %reduce_sum3A_7 : vector<1xf32> to vector<1x1x1xf32>
    %reduce_sum3A_9 = vector.extract %reduce_sum3A_8[0, 0, 0] : f32 from vector<1x1x1xf32>
    %add3A = arith.addf %get3A_5, %reduce_sum3A_9 : f32
    %swap3A = arith.constant 0 : index
    %swap3A_10 = memref.load %arg2[%swap3A] : memref<2xf32, #tpu.memory_space<smem>>
    memref.store %add3A, %arg2[%swap3A] : memref<2xf32, #tpu.memory_space<smem>>
    %get3A_11 = arith.constant 1 : index
    %get3A_12 = memref.load %arg2[%get3A_11] : memref<2xf32, #tpu.memory_space<smem>>
    %mul3A = arith.mulf %get3A_3, %get3A_3 : vector<2048x128xf32>
    %reduce_sum3A_13 = vector.shape_cast %mul3A : vector<2048x128xf32> to vector<1x2048x128xf32>
    %reduce_sum3A_14 = arith.constant dense<0.000000e+00> : vector<1xf32>
    %reduce_sum3A_15 = vector.multi_reduction <add>, %reduce_sum3A_13, %reduce_sum3A_14 [1, 2] : vector<1x2048x128xf32> to vector<1xf32>
    %reduce_sum3A_16 = vector.shape_cast %reduce_sum3A_15 : vector<1xf32> to vector<1x1x1xf32>
    %reduce_sum3A_17 = vector.extract %reduce_sum3A_16[0, 0, 0] : f32 from vector<1x1x1xf32>
    %add3A_18 = arith.addf %get3A_12, %reduce_sum3A_17 : f32
    %swap3A_19 = arith.constant 1 : index
    %swap3A_20 = memref.load %arg2[%swap3A_19] : memref<2xf32, #tpu.memory_space<smem>>
    memref.store %add3A_18, %arg2[%swap3A_19] : memref<2xf32, #tpu.memory_space<smem>>
    return
  }
  func.func @transform_0(%arg0: i32) -> (i32, i32) {
    %c0_i32 = arith.constant 0 : i32
    %c0_i32_0 = arith.constant 0 : i32
    return %arg0, %c0_i32 : i32, i32
  }
  func.func @transform_1(%arg0: i32) -> i32 {
    %c0_i32 = arith.constant 0 : i32
    %c0_i32_0 = arith.constant 0 : i32
    return %c0_i32 : i32
  }
}

</mosaic_0001>

<sc_bundles>
// kernel: kernel.5.cloned.1.call-start
scs
__scs_entry_jumppad:
0x0: {  	(pc) =	sbr.rel $0x88, $3  }
0x1: {  	(tag) =	ssettag $0x0;
	lr =	simm.s32 $0x1  }
0x2: {  	[smem:$0x3F9F] =	sst lr;
	_ =	strace $0xD0000000  }
0x3: {  	_ = 	snop  }
0x4: {  	_ = 	snop  }
0x5: {  	_ = 	snop  }
0x6: {  	_ = 	snop  }
0x7: {  	_ = 	snop  }
__scs_overlays_trampoline_lowered:
0x8: {  	[smem:$0x3FAE] =	sst s0  }
0x9: {  	[smem:$0x3FAF] =	sst s1  }
0xa: {  	[smem:$0x3FB0] =	sst s2  }
0xb: {  	[smem:$0x3FB1] =	sst s3  }
0xc: {  	[smem:$0x3FB2] =	sst s4  }
0xd: {  	[smem:$0x3FB3] =	sst s5  }
0xe: {  	[smem:$0x3FB4] =	sst s6  }
0xf: {  	[smem:$0x3FB5] =	sst s7  }
0x10: {  	[smem:$0x3FB6] =	sst s8  }
0x11: {  	[smem:$0x3FB7] =	sst s9;
	s0 =	simm.s32 @!p0 $0x0  }
0x12: {  	s1 =	sld [smem:$0x3F9D];
	s0 =	simm.s32 @p0 $0x1  }
0x13: {  	[smem:$0x3FB8] =	sst s0;
	s0 =	simm.s32 @!p1 $0x0  }
0x14: {  	s2 =	sld [smem:$0x3F9C];
	s0 =	simm.s32 @p1 $0x1  }
0x15: {  	[smem:$0x3FB9] =	sst s0;
	s0 =	simm.s32 @!p2 $0x0  }
0x16: {  	s3 =	sld [smem:$0x3FDB];
	s0 =	simm.s32 @p2 $0x1  }
0x17: {  	s4 =	simm.s32 $0x1BF5;
	[smem:$0x3FBB] =	sst s0  }
0x18: {  	s0 =	sld [smem:$0x3F9E];
	_ =	swait.ge [sflag:s4], $0x0  }
0x19: {  	s7 =	sld [smem:$0x3F9F]  }
0x1a: {  	s8 =	sadd.s32 $0xFFFFE003, lr  }
0x1b: {  	s9 =	sadd.s32 $0xFFFFFEF7, lr;
	s5 =	simm.s32 $0xFFFFFFFF;
	p2 =	slt.u32 s8, $0xFFFFF086  }
0x1c: {  	p1 =	slt.u32 s9, $0xF7A;
	s5 =	simm.s32 @!p2 $0x0  }
0x1d: {  	s5 =	simm.s32 @p1 $0x1;
	p0 =	seq.s32 s7, s2  }
0x1e: {  	s7 =	smul.u32 @!p0 $0xF7A, s2;
	p2 =	seq.s32 @!p0 s5, $0x0  }
0x1f: {  	s9 =	smul.u32 $0xF7A, s1;
	s8 =	simm.s32 @!p0 $0x1BF5;
	p2 =	por !p2, p0  }
0x20: {  	[sflag:s8] =	ssyncset.s32 @!p0 $0xFFFFF086;
	s6 =	sadd.s32 @!p0 s3, s7;
	s7 =	simm.s32 @!p0 $0x108  }
0x21: {  	s3 =	sadd.s32 s3, s9;
	s6 =	sadd.s32 @!p0 $0x88, s6;
	s7 =	simm.s32 @p2 $0x1082  }
0x22: {  	[simem:s7], [sflag:s8] =	dma.local @!p0 [hbm:s6], $0xF7A  }
0x23: {  	s9 =	sor.u32 $0xD0000000, s2;
	s6 =	simm.s32 $0x108;
	_ =	swait.ge @!p0 [sflag:s8], $0x0  }
0x24: {  	s3 =	sadd.s32 $0x88, s3;
	s6 =	simm.s32 @!p1 $0x1082;
	[sflag:s4] =	ssyncset.s32 $0xFFFFF086  }
0x25: {  	[simem:s6], [sflag:s4] =	dma.local [hbm:s3], $0xF7A  }
0x26: {  	[smem:$0x3F9F] =	sst s1;
	(tag) =	ssettag s2;
	_ =	strace s9  }
0x27: {  	s1 =	sld [smem:$0x3FAF]  }
0x28: {  	s2 =	sld [smem:$0x3FB0]  }
0x29: {  	s4 =	sld [smem:$0x3FB2]  }
0x2a: {  	p0 =	seq.s32 s5, $0x0;
	s5 =	sld [smem:$0x3FB3]  }
0x2b: {  	s6 =	sld [smem:$0x3FB4]  }
0x2c: {  	s7 =	sld [smem:$0x3FB5]  }
0x2d: {  	s3 =	simm.s32 $0x108;
	s8 =	sld [smem:$0x3FB6]  }
0x2e: {  	s3 =	simm.s32 @!p0 $0x1082;
	s9 =	sld [smem:$0x3FB7]  }
0x2f: {  	lr =	sadd.s32 s0, s3;
	s0 =	sld [smem:$0x3FAE]  }
0x30: {  	s3 =	sld [smem:$0x3FB1]  }
0x31: {  	[smem:$0x3FBA] =	sst s10  }
0x32: {  	s10 =	sld [smem:$0x3FB8];
	_ =	sdelay $0x3  }
0x33: {  	p0 =	seq.s32 s10, $0x1;
	s10 =	sld [smem:$0x3FBA];
	_ =	sdelay $0x3  }
0x34: {  	[smem:$0x3FBA] =	sst s10  }
0x35: {  	s10 =	sld [smem:$0x3FB9];
	_ =	sdelay $0x3  }
0x36: {  	p1 =	seq.s32 s10, $0x1;
	s10 =	sld [smem:$0x3FBA];
	_ =	sdelay $0x3  }
0x37: {  	[smem:$0x3FBA] =	sst s10  }
0x38: {  	s10 =	sld [smem:$0x3FBB]  }
0x39: {  	_ = 	snop;
	(pc) =	sbr.ind lr, $3  }
0x3a: {  	_ = 	snop  }
0x3b: {  	_ = 	snop  }
0x3c: {  	p2 =	seq.s32 s10, $0x1;
	s10 =	sld [smem:$0x3FBA]  }
0x3d: {  	_ =	shalt  }
0x3e: {  	_ =	shalt  }
0x3f: {  	_ =	shalt  }
0x40: {  	_ =	shalt  }
0x41: {  	_ =	shalt  }
0x42: {  	_ =	shalt  }
0x43: {  	_ =	shalt  }
0x44: {  	_ =	shalt  }
0x45: {  	_ =	shalt  }
0x46: {  	_ =	shalt  }
0x47: {  	_ =	shalt  }
0x48: {  	_ =	shalt  }
0x49: {  	_ =	shalt  }
0x4a: {  	_ =	shalt  }
0x4b: {  	_ =	shalt  }
0x4c: {  	_ =	shalt  }
0x4d: {  	_ =	shalt  }
0x4e: {  	_ =	shalt  }
0x4f: {  	_ =	shalt  }
0x50: {  	_ =	shalt  }
0x51: {  	_ =	shalt  }
0x52: {  	_ =	shalt  }
0x53: {  	_ =	shalt  }
0x54: {  	_ =	shalt  }
0x55: {  	_ =	shalt  }
0x56: {  	_ =	shalt  }
0x57: {  	_ =	shalt  }
0x58: {  	_ =	shalt  }
0x59: {  	_ =	shalt  }
0x5a: {  	_ =	shalt  }
0x5b: {  	_ =	shalt  }
0x5c: {  	_ =	shalt  }
0x5d: {  	_ =	shalt  }
0x5e: {  	_ =	shalt  }
0x5f: {  	_ =	shalt  }
0x60: {  	_ =	shalt  }
0x61: {  	_ =	shalt  }
0x62: {  	_ =	shalt  }
0x63: {  	_ =	shalt  }
0x64: {  	_ =	shalt  }
0x65: {  	_ =	shalt  }
0x66: {  	_ =	shalt  }
0x67: {  	_ =	shalt  }
0x68: {  	_ =	shalt  }
0x69: {  	_ =	shalt  }
0x6a: {  	_ =	shalt  }
0x6b: {  	_ =	shalt  }
0x6c: {  	_ =	shalt  }
0x6d: {  	_ =	shalt  }
0x6e: {  	_ =	shalt  }
0x6f: {  	_ =	shalt  }
0x70: {  	_ =	shalt  }
0x71: {  	_ =	shalt  }
0x72: {  	_ =	shalt  }
0x73: {  	_ =	shalt  }
0x74: {  	_ =	shalt  }
0x75: {  	_ =	shalt  }
0x76: {  	_ =	shalt  }
0x77: {  	_ =	shalt  }
0x78: {  	_ =	shalt  }
0x79: {  	_ =	shalt  }
0x7a: {  	_ =	shalt  }
0x7b: {  	_ =	shalt  }
0x7c: {  	_ =	shalt  }
0x7d: {  	_ =	shalt  }
0x7e: {  	_ =	shalt  }
0x7f: {  	_ =	shalt  }
0x80: {  	_ =	shalt  }
0x81: {  	_ =	shalt  }
0x82: {  	_ =	shalt  }
0x83: {  	_ =	shalt  }
0x84: {  	_ =	shalt  }
0x85: {  	_ =	shalt  }
0x86: {  	_ =	shalt  }
0x87: {  	_ =	shalt  }
.Lfunc_end0:
.L_simem_size_0:
called_computation_lowered:
.L_overlay_start_0:
0x88: {  	s2 =	sld [smem:$0x3FD9]  }
0x89: {  	s3 =	sld [smem:$0x3FFE];
	_ =	sdelay $0x1  }
0x8a: {  	s1 =	srdreg.scid  }
0x8b: {  	s0 =	sand.u32 $0x1, s1  }
0x8c: {  	s17 =	sshll.u32 s0, $0xA;
	s2 =	sadd.s32 s3, s2  }
0x8d: {  	s2 =	sadd.s32 s2, s17  }
0x8e: {  	[smem:$0x3FC6] =	sst s2  }
0x8f: {  	_ = 	snop  }
0x90: {  	s2 =	sld [smem:$0x3FC9];
	(tm) =	ssettm $0x1  }
0x91: {  	s18 =	sld [smem:$0x3FFB];
	_ =	sdelay $0x3  }
0x92: {  	_ =	strace s18  }
0x93: {  	s3 =	sld [smem:$0x3FFC];
	_ =	sdelay $0x3  }
0x94: {  	_ =	strace s3  }
0x95: {  	s3 =	sld [smem:$0x3FFD];
	_ =	sdelay $0x3  }
0x96: {  	_ =	strace s3  }
0x97: {  	_ =	strace $0x8FFFFFFF  }
0x98: {  	s19 =	sld [smem:$0x3FDB];
	_ =	sdelay $0x1  }
0x99: {  	s4 =	simm.s32 $_scs_section_size  }
0x9a: {  	s5 =	simm.s32 $_size__tile_overlayer_lowered;
	s6 =	simm.s32 $_tile_overlayer_lowered  }
0x9b: {  	s22 =	simm.s32 $0x1BFF;
	s21 =	sshll.u32 s6, $0x1;
	s3 =	sadd.s32 s4, s19  }
0x9c: {  	s7 =	simm.s32 $0x0;
	s20 =	sshll.u32 s5, $0x1;
	s5 =	sadd.s32 s21, s3  }
0x9d: {  	[timem:s7], [sflag:s22] =	dma.local [hbm:s5], s20  }
0x9e: {  	_ =	swait.ge [sflag:s22], s20  }
0x9f: {  	s4 =	ssub.s32 $0x0, s20;
	[sflag:s22] =	ssyncset.done $0x0  }
0xa0: {  	[sflag:s22] =	ssyncadd.s32 s4;
	_ =	sdelay $0x1  }
0xa1: {  	s23 =	simm.s32 $0x1B8B  }
0xa2: {  	_ =	swait.ge [sflag:s23], $0x1  }
0xa3: {  	[sflag:s23] =	ssyncset.done $0x0  }
0xa4: {  	s25 =	simm.s32 $0x1B8E;
	s24 =	sld [smem:$0x3FFE];
	[sflag:s23] =	ssyncadd.s32 $0xFFFFFFFF  }
0xa5: {  	s26 =	simm.s32 $execute0_lowered;
	[smem:$0x3FD2] =	sst s25  }
0xa6: {  	s5 =	sshll.u32 s26, $0x1;
	_ =	strace $0x80000046;
	[dreg:$0x1] =	wrdreg $0xFFFFFFFF  }
0xa7: {  	s28 =	simm.s32 $_size_execute0_lowered;
	s3 =	sadd.s32 s3, s5;
	[dreg:$0x0] =	wrdreg $0x0  }
0xa8: {  	s5 =	sshll.u32 s28, $0x1;
	[dreg:$0x2] =	wrdreg s3  }
0xa9: {  	[dreg:$0x3] =	wrdreg s5  }
0xaa: {  	[dreg:$0x4] =	wrdreg $0xC0  }
0xab: {  	_ =	task [dreg:s7], $0x5FFFF  }
0xac: {  	[dreg:$0x1] =	wrdreg $0xFFFFFFFF  }
0xad: {  	[dreg:$0x0] =	wrdreg $0x60  }
0xae: {  	[dreg:$0x2] =	wrdreg s2  }
0xaf: {  	[dreg:$0x3] =	wrdreg s24  }
0xb0: {  	[dreg:$0x4] =	wrdreg $0x9  }
0xb1: {  	_ =	task.clear_ibuf [dreg:s7], $0x5FFFF;
	_ =	strace $0x90000046  }
0xb2: {  	s29 =	simm.s32 $0x9;
	_ =	strace $0x80000048  }
0xb3: {  	_ =	swait.ge [sflag:s29], $0x1  }
0xb4: {  	[sflag:s29] =	ssyncadd.s32 $0xFFFFFFFF  }
0xb5: {  	_ =	strace $0x90000048  }
0xb6: {  	_ =	sfence  }
0xb7: {  	s30 =	sld [smem:$0x0];
	_ =	sdelay $0x2  }
0xb8: {  	s31 =	sshll.u32 s1, $0xD;
	s1 =	sshrl.u32 s1, $0x2  }
0xb9: {  	s3 =	sand.u32 $0x4000, s31;
	s1 =	sadd.s32 s1, s30  }
0xba: {  	s0 =	sor.u32 s3, s0;
	s1 =	sshll.u32 s1, $0x11  }
0xbb: {  	s0 =	sor.u32 s1, s0  }
0xbc: {  	s0 =	sadd.s32 $0x8F2B, s0  }
0xbd: {  	[sflag:s0] =	ssyncadd.remote.s32 $0x1  }
0xbe: {  	_ =	sfence.sel $0xFFFF  }
0xbf: {  	[dreg:$0x0] =	wrdreg $0xFFFFFFFF;
	(pc) =	sbr.abs _section_cstart, $3  }
0xc0: {  	[dreg:$0x1] =	wrdreg $0xFFFFFFFF  }
0xc1: {  	_ =	task.clear_ibuf [dreg:s7], $0x2FFFF;
	_ =	strace $0x9FFFFFFF  }
0xc2: {  	(tm) =	ssettm $0x7FFFFFFF  }
0xc3: {  	_ =	shalt  }
tec
execute0_lowered:
.L_overlay_start_1:
0x0: {  	(tag) =	ssettag $0x1  }
0x1: {  	s3 =	rddreg [dreg:$0x0]  }
0x2: {  	s4 =	rddreg [dreg:$0x1];
	s2 =	srdreg.scid  }
0x3: {  	s1 =	stileid.u32;
	s0 =	rddreg [dreg:$0x2];
	s9 =	simm.s32 $0x1  }
0x4: {  	s10 =	simm.s32 $0x10000;
	s11 =	simm.s32 $0x12100;
	s12 =	simm.s32 $0x80  }
0x5: {  	s13 =	simm.s32 $0x400;
	s14 =	simm.s32 $0x14200;
	s15 =	simm.s32 $0x2  }
0x6: {  	s16 =	simm.s32 $0x0;
	s5 =	sand.u32 $0x1, s2;
	s6 =	sshll.u32 s1, $0x1  }
0x7: {  	s2 =	simm.s32 $0x0;
	s7 =	sshrl.u32 s1, $0x2;
	s6 =	sor.u32 s5, s6  }
0x8: {  	[smem:$0x7FF] =	sst s2;
	s7 =	smul.u32 $0x1400, s7;
	s8 =	sshll.u32 s6, $0x7  }
0x9: {  	s5 =	ssub.s32 $0x2, s5;
	_ =	strace $0x80000047;
	s8 =	sand.u32 $0x380, s8  }
0xa: {  	s6 =	sshll.u32 s6, $0xE;
	s31 =	sshrl.u32 s5, $0x1;
	s7 =	sor.u32 s7, s8  }
0xb: {  	v1 =	vlaneseq.u32;
	s3 =	sadd.s32 s3, s6;
	s8 =	ssub.s32 s5, s31;
	s7 =	sshrl.u32 s7, $0x3  }
0xc: {  	v1 =	vmul.u32 $0x210, v1;
	s5 =	sadd.s32 $0x2000, s3;
	s6 =	sadd.s32 $0x3000, s3;
	s7 =	sadd.s32 s7, s4  }
0xd: {  	v0 =	vimm.f32 $0.0e+00;
	v2 =	vimm.f32 $1.000000000e+00;
	s8 =	smax.u32 s8, $0x1;
	s4 =	sadd.s32 $0x1000, s3;
	s7 =	sadd.s32 $0x800, s7  }
.LBB2_1:
0xe: {  	s17 =	simm.s32 $0x0  }
.LBB2_2:
0xf: {  	p0 =	sne.s32 s17, $0x83C0  }
.Ltmp0:
0x10: {  	_ = 	snop;
	(pc) =	sbr.rel @p0 .LBB2_2-.Ltmp0, $4  }
0x11: {  	_ = 	snop  }
0x12: {  	s18 =	sshra.s32 s17, $0x2  }
0x13: {  	[tilespmem:s18+$0x10000] =	vst v0  }
0x14: {  	s17 =	sadd.s32 $0x40, s17;
	[tilespmem:s18+$0x12100] =	vst v0  }
0x15: {  	s17 =	simm.s32 $0x0  }
0x16: {  	s18 =	simm.s32 $0x10;
	s20 =	sadd.s32 $0x0, s3;
	s19 =	simm.s32 $0x100  }
.LBB2_4:
0x17: {  	[tilespmem:s17], [sflag:$0x1] =	stream.linear.gather [hbm4b:s20+s2], $0x80, $0x38;
	[tilespmem:$0x14480] =	vst v63  }
0x18: {  	s20 =	smov.u32 s18;
	s17 =	smov.u32 s19;
	p0 =	sne.s32 s18, $0xFF0  }
.Ltmp1:
0x19: {  	s18 =	sadd.s32 $0x10, s18;
	(pc) =	sbr.rel @p0 .LBB2_4-.Ltmp1, $2  }
0x1a: {  	_ =	sdelay $0x2  }
0x1b: {  	s19 =	sadd.s32 $0x100, s19;
	s20 =	sadd.s32 s20, s3  }
0x1c: {  	[tilespmem:s17], [sflag:$0x1] =	stream.linear.gather [hbm4b:s20+s2], $0x80, $0x38;
	[tilespmem:$0x14480] =	vst v63  }
0x1d: {  	s17 =	simm.s32 $0x80  }
0x1e: {  	s18 =	simm.s32 $0x10;
	s20 =	sadd.s32 $0x0, s4;
	s19 =	simm.s32 $0x180  }
.LBB2_6:
0x1f: {  	[tilespmem:s17], [sflag:$0x1] =	stream.linear.gather [hbm4b:s20+s2], $0x80, $0x38;
	[tilespmem:$0x14480] =	vst v63  }
0x20: {  	s20 =	smov.u32 s18;
	s17 =	smov.u32 s19;
	p0 =	sne.s32 s18, $0xFF0  }
.Ltmp2:
0x21: {  	s18 =	sadd.s32 $0x10, s18;
	(pc) =	sbr.rel @p0 .LBB2_6-.Ltmp2, $2  }
0x22: {  	_ =	sdelay $0x2  }
0x23: {  	s19 =	sadd.s32 $0x100, s19;
	s20 =	sadd.s32 s20, s4  }
0x24: {  	[tilespmem:s17], [sflag:$0x1] =	stream.linear.gather [hbm4b:s20+s2], $0x80, $0x38;
	[tilespmem:$0x14480] =	vst v63  }
0x25: {  	_ =	swait.ge [sflag:s9], $0x8000  }
0x26: {  	[sflag:s9] =	ssyncset.done $0x0  }
0x27: {  	s18 =	simm.s32 $0x40;
	[sflag:s9] =	ssyncadd.s32 $0xFFFF8000  }
0x28: {  	v3 =	vld [tilespmem:s18+$0x20];
	_ =	sdelay $0x1  }
0x29: {  	v4 =	vld [tilespmem:s18+$0xFFFFFFC0]  }
0x2a: {  	v5 =	vld [tilespmem:s18+$0xFFFFFFE0]  }
0x2b: {  	v6 =	vld [tilespmem:s18+$0x0]  }
0x2c: {  	v3 =	vadd.s32 v1, v3  }
0x2d: {  	s17 =	simm.s32 $0x140  }
0x2e: {  	v8 =	vld [tilespmem:s17+$0xFFFFFFC0];
	v4 =	vadd.s32 v1, v4  }
0x2f: {  	v7 =	vld [tilespmem:s17+$0x20];
	v5 =	vadd.s32 v1, v5  }
0x30: {  	v9 =	vld [tilespmem:s17+$0x0];
	v6 =	vadd.s32 v1, v6  }
0x31: {  	[tilespmem:v3+s10+$0x0] =	vst.idx.add.f32.msk $0xffff, v2  }
0x32: {  	v3 =	vld [tilespmem:s18+$0x30]  }
0x33: {  	v8 =	vadd.s32 v1, v8;
	[tilespmem:v4+s10+$0x0] =	vst.idx.add.f32.msk $0xffff, v2  }
0x34: {  	[tilespmem:v5+s10+$0x0] =	vst.idx.add.f32.msk $0xffff, v2  }
0x35: {  	[tilespmem:v6+s10+$0x0] =	vst.idx.add.f32.msk $0xffff, v2  }
0x36: {  	v6 =	vadd.s32 v1, v7;
	v4 =	vld [tilespmem:s18+$0xFFFFFFD0]  }
0x37: {  	v5 =	vld [tilespmem:s17+$0xFFFFFFE0];
	v3 =	vadd.s32 v1, v3  }
0x38: {  	[tilespmem:v8+s10+$0x0] =	vst.idx.add.f32.msk $0xffff, v2  }
0x39: {  	v9 =	vadd.s32 v1, v9;
	v7 =	vld [tilespmem:s18+$0xFFFFFFF0]  }
0x3a: {  	v10 =	vld [tilespmem:s18+$0x10]  }
0x3b: {  	[tilespmem:v6+s10+$0x0] =	vst.idx.add.f32.msk $0xffff, v2;
	v4 =	vadd.s32 v1, v4  }
0x3c: {  	[tilespmem:v3+s11+$0x0] =	vst.idx.add.f32.msk $0xffff, v2;
	v3 =	vadd.s32 v1, v5  }
0x3d: {  	v5 =	vld [tilespmem:s17+$0x30]  }
0x3e: {  	[tilespmem:v9+s10+$0x0] =	vst.idx.add.f32.msk $0xffff, v2  }
0x3f: {  	v6 =	vld [tilespmem:s17+$0xFFFFFFD0]  }
0x40: {  	[tilespmem:v4+s11+$0x0] =	vst.idx.add.f32.msk $0xffff, v2  }
0x41: {  	s19 =	simm.s32 $0x240;
	s18 =	simm.s32 $0x8;
	v4 =	vadd.s32 v1, v10;
	[tilespmem:v3+s10+$0x0] =	vst.idx.add.f32.msk $0xffff, v2;
	v3 =	vadd.s32 v1, v7  }
.LBB2_8:
0x42: {  	v7 =	vld [tilespmem:s19+$0x20];
	s18 =	sadd.s32 $0x8, s18;
	v5 =	vadd.s32 v1, v5  }
0x43: {  	v8 =	vld [tilespmem:s19+$0xFFFFFFE0];
	p0 =	slt.u32 s18, $0x7F8  }
0x44: {  	v9 =	vld [tilespmem:s19+$0x0]  }
0x45: {  	v10 =	vld [tilespmem:s19+$0xFFFFFFC0]  }
0x46: {  	v6 =	vadd.s32 v1, v6;
	v11 =	vld [tilespmem:s17+$0xFFFFFFF0]  }
0x47: {  	v7 =	vadd.s32 v1, v7;
	[tilespmem:v5+s11+$0x0] =	vst.idx.add.f32.msk $0xffff, v2  }
0x48: {  	v8 =	vadd.s32 v1, v8;
	v12 =	vld [tilespmem:s17+$0x10];
	s17 =	smov.u32 s19  }
0x49: {  	v9 =	vadd.s32 v1, v9;
	[tilespmem:v3+s11+$0x0] =	vst.idx.add.f32.msk $0xffff, v2  }
0x4a: {  	v10 =	vadd.s32 v1, v10;
	[tilespmem:v4+s11+$0x0] =	vst.idx.add.f32.msk $0xffff, v2  }
0x4b: {  	[tilespmem:v6+s11+$0x0] =	vst.idx.add.f32.msk $0xffff, v2;
	v3 =	vadd.s32 v1, v11  }
0x4c: {  	[tilespmem:v7+s10+$0x0] =	vst.idx.add.f32.msk $0xffff, v2  }
.Ltmp3:
0x4d: {  	v5 =	vld [tilespmem:s19+$0x30];
	v4 =	vadd.s32 v1, v12;
	(pc) =	sbr.rel @p0 .LBB2_8-.Ltmp3, $4  }
0x4e: {  	[tilespmem:v8+s10+$0x0] =	vst.idx.add.f32.msk $0xffff, v2  }
0x4f: {  	[tilespmem:v10+s10+$0x0] =	vst.idx.add.f32.msk $0xffff, v2  }
0x50: {  	[tilespmem:v9+s10+$0x0] =	vst.idx.add.f32.msk $0xffff, v2  }
0x51: {  	s19 =	sadd.s32 $0x100, s19;
	v6 =	vld [tilespmem:s17+$0xFFFFFFD0]  }
0x52: {  	v7 =	vld [tilespmem:s17+$0xFFFFFFF0]  }
0x53: {  	v8 =	vld [tilespmem:s17+$0x10];
	_ =	sdelay $0x1  }
0x54: {  	v5 =	vadd.s32 v1, v5  }
0x55: {  	v6 =	vadd.s32 v1, v6  }
0x56: {  	v7 =	vadd.s32 v1, v7  }
0x57: {  	[tilespmem:v3+s11+$0x0] =	vst.idx.add.f32.msk $0xffff, v2;
	v63 =	vadd.s32 v1, v8  }
0x58: {  	[tilespmem:v4+s11+$0x0] =	vst.idx.add.f32.msk $0xffff, v2  }
0x59: {  	[tilespmem:v5+s11+$0x0] =	vst.idx.add.f32.msk $0xffff, v2  }
0x5a: {  	[tilespmem:v6+s11+$0x0] =	vst.idx.add.f32.msk $0xffff, v2  }
0x5b: {  	s17 =	simm.s32 $0x0;
	[tilespmem:v7+s11+$0x0] =	vst.idx.add.f32.msk $0xffff, v2  }
0x5c: {  	s18 =	simm.s32 $0x10;
	s20 =	sadd.s32 $0x0, s5;
	s19 =	simm.s32 $0x100;
	[tilespmem:v63+s11+$0x0] =	vst.idx.add.f32.msk $0xffff, v2  }
.LBB2_10:
0x5d: {  	[tilespmem:s17], [sflag:$0x1] =	stream.linear.gather [hbm4b:s20+s2], $0x80, $0x38;
	[tilespmem:$0x14480] =	vst v63  }
0x5e: {  	s20 =	smov.u32 s18;
	s17 =	smov.u32 s19;
	p0 =	sne.s32 s18, $0xFF0  }
.Ltmp4:
0x5f: {  	s18 =	sadd.s32 $0x10, s18;
	(pc) =	sbr.rel @p0 .LBB2_10-.Ltmp4, $2  }
0x60: {  	_ =	sdelay $0x2  }
0x61: {  	s19 =	sadd.s32 $0x100, s19;
	s20 =	sadd.s32 s20, s5  }
0x62: {  	[tilespmem:s17], [sflag:$0x1] =	stream.linear.gather [hbm4b:s20+s2], $0x80, $0x38;
	[tilespmem:$0x14480] =	vst v63  }
0x63: {  	_ =	swait.ge [sflag:s9], $0x8000  }
0x64: {  	[sflag:s9] =	ssyncset.done $0x0  }
0x65: {  	s18 =	simm.s32 $0xF0;
	[sflag:s9] =	ssyncadd.s32 $0xFFFF8000  }
0x66: {  	v3 =	vld [tilespmem:s18+$0xFFFFFFF0];
	_ =	sdelay $0x1  }
0x67: {  	v4 =	vld [tilespmem:s18+$0xFFFFFF90]  }
0x68: {  	v5 =	vld [tilespmem:s18+$0xFFFFFFB0]  }
0x69: {  	v6 =	vld [tilespmem:s18+$0xFFFFFFD0]  }
0x6a: {  	v3 =	vadd.s32 v1, v3  }
0x6b: {  	s17 =	simm.s32 $0x1F0  }
0x6c: {  	v8 =	vld [tilespmem:s17+$0xFFFFFF90];
	v4 =	vadd.s32 v1, v4  }
0x6d: {  	v7 =	vld [tilespmem:s17+$0xFFFFFFF0];
	v5 =	vadd.s32 v1, v5  }
0x6e: {  	v9 =	vld [tilespmem:s17+$0xFFFFFFD0];
	v6 =	vadd.s32 v1, v6  }
0x6f: {  	[tilespmem:v3+s10+$0x0] =	vst.idx.add.f32.msk $0xffff, v2  }
0x70: {  	v3 =	vld [tilespmem:s18+$0x0]  }
0x71: {  	v8 =	vadd.s32 v1, v8;
	[tilespmem:v4+s10+$0x0] =	vst.idx.add.f32.msk $0xffff, v2  }
0x72: {  	[tilespmem:v5+s10+$0x0] =	vst.idx.add.f32.msk $0xffff, v2  }
0x73: {  	[tilespmem:v6+s10+$0x0] =	vst.idx.add.f32.msk $0xffff, v2  }
0x74: {  	v6 =	vadd.s32 v1, v7;
	v4 =	vld [tilespmem:s18+$0xFFFFFFA0]  }
0x75: {  	v5 =	vld [tilespmem:s17+$0xFFFFFFB0];
	v3 =	vadd.s32 v1, v3  }
0x76: {  	[tilespmem:v8+s10+$0x0] =	vst.idx.add.f32.msk $0xffff, v2  }
0x77: {  	v9 =	vadd.s32 v1, v9;
	v7 =	vld [tilespmem:s18+$0xFFFFFFC0]  }
0x78: {  	v10 =	vld [tilespmem:s18+$0xFFFFFFE0]  }
0x79: {  	[tilespmem:v6+s10+$0x0] =	vst.idx.add.f32.msk $0xffff, v2;
	v4 =	vadd.s32 v1, v4  }
0x7a: {  	[tilespmem:v3+s11+$0x0] =	vst.idx.add.f32.msk $0xffff, v2;
	v3 =	vadd.s32 v1, v5  }
0x7b: {  	v5 =	vld [tilespmem:s17+$0x0]  }
0x7c: {  	[tilespmem:v9+s10+$0x0] =	vst.idx.add.f32.msk $0xffff, v2  }
0x7d: {  	v6 =	vld [tilespmem:s17+$0xFFFFFFA0]  }
0x7e: {  	[tilespmem:v4+s11+$0x0] =	vst.idx.add.f32.msk $0xffff, v2  }
0x7f: {  	s19 =	simm.s32 $0x2F0;
	s18 =	simm.s32 $0x8;
	v4 =	vadd.s32 v1, v10;
	[tilespmem:v3+s10+$0x0] =	vst.idx.add.f32.msk $0xffff, v2;
	v3 =	vadd.s32 v1, v7  }
.LBB2_12:
0x80: {  	v7 =	vld [tilespmem:s19+$0xFFFFFFF0];
	s18 =	sadd.s32 $0x8, s18;
	v5 =	vadd.s32 v1, v5  }
0x81: {  	v8 =	vld [tilespmem:s19+$0xFFFFFFB0];
	p0 =	slt.u32 s18, $0x7F8  }
0x82: {  	v9 =	vld [tilespmem:s19+$0xFFFFFFD0]  }
0x83: {  	v10 =	vld [tilespmem:s19+$0xFFFFFF90]  }
0x84: {  	v6 =	vadd.s32 v1, v6;
	v11 =	vld [tilespmem:s17+$0xFFFFFFC0]  }
0x85: {  	v7 =	vadd.s32 v1, v7;
	[tilespmem:v5+s11+$0x0] =	vst.idx.add.f32.msk $0xffff, v2  }
0x86: {  	v8 =	vadd.s32 v1, v8;
	v12 =	vld [tilespmem:s17+$0xFFFFFFE0];
	s17 =	smov.u32 s19  }
0x87: {  	v9 =	vadd.s32 v1, v9;
	[tilespmem:v3+s11+$0x0] =	vst.idx.add.f32.msk $0xffff, v2  }
0x88: {  	v10 =	vadd.s32 v1, v10;
	[tilespmem:v4+s11+$0x0] =	vst.idx.add.f32.msk $0xffff, v2  }
0x89: {  	[tilespmem:v6+s11+$0x0] =	vst.idx.add.f32.msk $0xffff, v2;
	v3 =	vadd.s32 v1, v11  }
0x8a: {  	[tilespmem:v7+s10+$0x0] =	vst.idx.add.f32.msk $0xffff, v2  }
.Ltmp5:
0x8b: {  	v5 =	vld [tilespmem:s19+$0x0];
	v4 =	vadd.s32 v1, v12;
	(pc) =	sbr.rel @p0 .LBB2_12-.Ltmp5, $4  }
0x8c: {  	[tilespmem:v8+s10+$0x0] =	vst.idx.add.f32.msk $0xffff, v2  }
0x8d: {  	[tilespmem:v10+s10+$0x0] =	vst.idx.add.f32.msk $0xffff, v2  }
0x8e: {  	[tilespmem:v9+s10+$0x0] =	vst.idx.add.f32.msk $0xffff, v2  }
0x8f: {  	s19 =	sadd.s32 $0x100, s19;
	v6 =	vld [tilespmem:s17+$0xFFFFFFA0]  }
0x90: {  	v7 =	vld [tilespmem:s17+$0xFFFFFFC0]  }
0x91: {  	v8 =	vld [tilespmem:s17+$0xFFFFFFE0];
	_ =	sdelay $0x1  }
0x92: {  	v5 =	vadd.s32 v1, v5  }
0x93: {  	v6 =	vadd.s32 v1, v6  }
0x94: {  	v7 =	vadd.s32 v1, v7  }
0x95: {  	[tilespmem:v3+s11+$0x0] =	vst.idx.add.f32.msk $0xffff, v2;
	v63 =	vadd.s32 v1, v8  }
0x96: {  	[tilespmem:v4+s11+$0x0] =	vst.idx.add.f32.msk $0xffff, v2  }
0x97: {  	[tilespmem:v5+s11+$0x0] =	vst.idx.add.f32.msk $0xffff, v2  }
0x98: {  	[tilespmem:v6+s11+$0x0] =	vst.idx.add.f32.msk $0xffff, v2  }
0x99: {  	s17 =	simm.s32 $0x80;
	[tilespmem:v7+s11+$0x0] =	vst.idx.add.f32.msk $0xffff, v2  }
0x9a: {  	s18 =	simm.s32 $0x10;
	s20 =	sadd.s32 $0x0, s6;
	s19 =	simm.s32 $0x180;
	[tilespmem:v63+s11+$0x0] =	vst.idx.add.f32.msk $0xffff, v2  }
.LBB2_14:
0x9b: {  	[tilespmem:s17], [sflag:$0x1] =	stream.linear.gather [hbm4b:s20+s2], $0x80, $0x38;
	[tilespmem:$0x14480] =	vst v63  }
0x9c: {  	s20 =	smov.u32 s18;
	s17 =	smov.u32 s19;
	p0 =	sne.s32 s18, $0xFF0  }
.Ltmp6:
0x9d: {  	s18 =	sadd.s32 $0x10, s18;
	(pc) =	sbr.rel @p0 .LBB2_14-.Ltmp6, $2  }
0x9e: {  	_ =	sdelay $0x2  }
0x9f: {  	s19 =	sadd.s32 $0x100, s19;
	s20 =	sadd.s32 s20, s6  }
0xa0: {  	[tilespmem:s17], [sflag:$0x1] =	stream.linear.gather [hbm4b:s20+s2], $0x80, $0x38;
	[tilespmem:$0x14480] =	vst v63  }
0xa1: {  	_ =	swait.ge [sflag:s9], $0x8000  }
0xa2: {  	[sflag:s9] =	ssyncset.done $0x0  }
0xa3: {  	s18 =	simm.s32 $0x40;
	[sflag:s9] =	ssyncadd.s32 $0xFFFF8000  }
0xa4: {  	v3 =	vld [tilespmem:s18+$0x20];
	_ =	sdelay $0x1  }
0xa5: {  	v4 =	vld [tilespmem:s18+$0xFFFFFFC0]  }
0xa6: {  	v5 =	vld [tilespmem:s18+$0xFFFFFFE0]  }
0xa7: {  	v6 =	vld [tilespmem:s18+$0x0]  }
0xa8: {  	v3 =	vadd.s32 v1, v3  }
0xa9: {  	s17 =	simm.s32 $0x140  }
0xaa: {  	v8 =	vld [tilespmem:s17+$0xFFFFFFC0];
	v4 =	vadd.s32 v1, v4  }
0xab: {  	v7 =	vld [tilespmem:s17+$0x20];
	v5 =	vadd.s32 v1, v5  }
0xac: {  	v9 =	vld [tilespmem:s17+$0x0];
	v6 =	vadd.s32 v1, v6  }
0xad: {  	[tilespmem:v3+s10+$0x0] =	vst.idx.add.f32.msk $0xffff, v2  }
0xae: {  	v3 =	vld [tilespmem:s18+$0x30]  }
0xaf: {  	v8 =	vadd.s32 v1, v8;
	[tilespmem:v4+s10+$0x0] =	vst.idx.add.f32.msk $0xffff, v2  }
0xb0: {  	[tilespmem:v5+s10+$0x0] =	vst.idx.add.f32.msk $0xffff, v2  }
0xb1: {  	[tilespmem:v6+s10+$0x0] =	vst.idx.add.f32.msk $0xffff, v2  }
0xb2: {  	v6 =	vadd.s32 v1, v7;
	v4 =	vld [tilespmem:s18+$0xFFFFFFD0]  }
0xb3: {  	v5 =	vld [tilespmem:s17+$0xFFFFFFE0];
	v3 =	vadd.s32 v1, v3  }
0xb4: {  	[tilespmem:v8+s10+$0x0] =	vst.idx.add.f32.msk $0xffff, v2  }
0xb5: {  	v9 =	vadd.s32 v1, v9;
	v7 =	vld [tilespmem:s18+$0xFFFFFFF0]  }
0xb6: {  	v10 =	vld [tilespmem:s18+$0x10]  }
0xb7: {  	[tilespmem:v6+s10+$0x0] =	vst.idx.add.f32.msk $0xffff, v2;
	v4 =	vadd.s32 v1, v4  }
0xb8: {  	[tilespmem:v3+s11+$0x0] =	vst.idx.add.f32.msk $0xffff, v2;
	v3 =	vadd.s32 v1, v5  }
0xb9: {  	v5 =	vld [tilespmem:s17+$0x30]  }
0xba: {  	[tilespmem:v9+s10+$0x0] =	vst.idx.add.f32.msk $0xffff, v2  }
0xbb: {  	v6 =	vld [tilespmem:s17+$0xFFFFFFD0]  }
0xbc: {  	[tilespmem:v4+s11+$0x0] =	vst.idx.add.f32.msk $0xffff, v2  }
0xbd: {  	s19 =	simm.s32 $0x240;
	s18 =	simm.s32 $0x8;
	v4 =	vadd.s32 v1, v10;
	[tilespmem:v3+s10+$0x0] =	vst.idx.add.f32.msk $0xffff, v2;
	v3 =	vadd.s32 v1, v7  }
.LBB2_16:
0xbe: {  	v7 =	vld [tilespmem:s19+$0x20];
	s18 =	sadd.s32 $0x8, s18;
	v5 =	vadd.s32 v1, v5  }
0xbf: {  	v8 =	vld [tilespmem:s19+$0xFFFFFFE0];
	p0 =	slt.u32 s18, $0x7F8  }
0xc0: {  	v9 =	vld [tilespmem:s19+$0x0]  }
0xc1: {  	v10 =	vld [tilespmem:s19+$0xFFFFFFC0]  }
0xc2: {  	v6 =	vadd.s32 v1, v6;
	v11 =	vld [tilespmem:s17+$0xFFFFFFF0]  }
0xc3: {  	v7 =	vadd.s32 v1, v7;
	[tilespmem:v5+s11+$0x0] =	vst.idx.add.f32.msk $0xffff, v2  }
0xc4: {  	v8 =	vadd.s32 v1, v8;
	v12 =	vld [tilespmem:s17+$0x10];
	s17 =	smov.u32 s19  }
0xc5: {  	v9 =	vadd.s32 v1, v9;
	[tilespmem:v3+s11+$0x0] =	vst.idx.add.f32.msk $0xffff, v2  }
0xc6: {  	v10 =	vadd.s32 v1, v10;
	[tilespmem:v4+s11+$0x0] =	vst.idx.add.f32.msk $0xffff, v2  }
0xc7: {  	[tilespmem:v6+s11+$0x0] =	vst.idx.add.f32.msk $0xffff, v2;
	v3 =	vadd.s32 v1, v11  }
0xc8: {  	[tilespmem:v7+s10+$0x0] =	vst.idx.add.f32.msk $0xffff, v2  }
.Ltmp7:
0xc9: {  	v5 =	vld [tilespmem:s19+$0x30];
	v4 =	vadd.s32 v1, v12;
	(pc) =	sbr.rel @p0 .LBB2_16-.Ltmp7, $4  }
0xca: {  	[tilespmem:v8+s10+$0x0] =	vst.idx.add.f32.msk $0xffff, v2  }
0xcb: {  	[tilespmem:v10+s10+$0x0] =	vst.idx.add.f32.msk $0xffff, v2  }
0xcc: {  	[tilespmem:v9+s10+$0x0] =	vst.idx.add.f32.msk $0xffff, v2  }
0xcd: {  	s19 =	sadd.s32 $0x100, s19;
	v6 =	vld [tilespmem:s17+$0xFFFFFFD0]  }
0xce: {  	v7 =	vld [tilespmem:s17+$0xFFFFFFF0]  }
0xcf: {  	v5 =	vadd.s32 v1, v5;
	v8 =	vld [tilespmem:s17+$0x10];
	_ =	sdelay $0x2  }
0xd0: {  	v6 =	vadd.s32 v1, v6  }
0xd1: {  	v7 =	vadd.s32 v1, v7  }
0xd2: {  	[tilespmem:v5+s11+$0x0] =	vst.idx.add.f32.msk $0xffff, v2;
	v5 =	vadd.s32 v1, v8  }
0xd3: {  	[tilespmem:v3+s11+$0x0] =	vst.idx.add.f32.msk $0xffff, v2  }
0xd4: {  	[tilespmem:v4+s11+$0x0] =	vst.idx.add.f32.msk $0xffff, v2  }
0xd5: {  	[tilespmem:v6+s11+$0x0] =	vst.idx.add.f32.msk $0xffff, v2  }
0xd6: {  	[tilespmem:v7+s11+$0x0] =	vst.idx.add.f32.msk $0xffff, v2  }
0xd7: {  	[tilespmem:v5+s11+$0x0] =	vst.idx.add.f32.msk $0xffff, v2  }
0xd8: {  	_ =	swait.ge [sflag:s9], $0x8000  }
0xd9: {  	[sflag:s9] =	ssyncset.done $0x0  }
0xda: {  	s18 =	simm.s32 $0xF0;
	[sflag:s9] =	ssyncadd.s32 $0xFFFF8000  }
0xdb: {  	v3 =	vld [tilespmem:s18+$0xFFFFFFF0];
	_ =	sdelay $0x1  }
0xdc: {  	v4 =	vld [tilespmem:s18+$0xFFFFFF90]  }
0xdd: {  	v5 =	vld [tilespmem:s18+$0xFFFFFFB0]  }
0xde: {  	v6 =	vld [tilespmem:s18+$0xFFFFFFD0]  }
0xdf: {  	v3 =	vadd.s32 v1, v3  }
0xe0: {  	s17 =	simm.s32 $0x1F0  }
0xe1: {  	v8 =	vld [tilespmem:s17+$0xFFFFFF90];
	v4 =	vadd.s32 v1, v4  }
0xe2: {  	v7 =	vld [tilespmem:s17+$0xFFFFFFF0];
	v5 =	vadd.s32 v1, v5  }
0xe3: {  	v9 =	vld [tilespmem:s17+$0xFFFFFFD0];
	v6 =	vadd.s32 v1, v6  }
0xe4: {  	[tilespmem:v3+s10+$0x0] =	vst.idx.add.f32.msk $0xffff, v2  }
0xe5: {  	v3 =	vld [tilespmem:s18+$0x0]  }
0xe6: {  	v8 =	vadd.s32 v1, v8;
	[tilespmem:v4+s10+$0x0] =	vst.idx.add.f32.msk $0xffff, v2  }
0xe7: {  	[tilespmem:v5+s10+$0x0] =	vst.idx.add.f32.msk $0xffff, v2  }
0xe8: {  	[tilespmem:v6+s10+$0x0] =	vst.idx.add.f32.msk $0xffff, v2  }
0xe9: {  	v6 =	vadd.s32 v1, v7;
	v4 =	vld [tilespmem:s18+$0xFFFFFFA0]  }
0xea: {  	v5 =	vld [tilespmem:s17+$0xFFFFFFB0];
	v3 =	vadd.s32 v1, v3  }
0xeb: {  	[tilespmem:v8+s10+$0x0] =	vst.idx.add.f32.msk $0xffff, v2  }
0xec: {  	v9 =	vadd.s32 v1, v9;
	v7 =	vld [tilespmem:s18+$0xFFFFFFC0]  }
0xed: {  	v10 =	vld [tilespmem:s18+$0xFFFFFFE0]  }
0xee: {  	[tilespmem:v6+s10+$0x0] =	vst.idx.add.f32.msk $0xffff, v2;
	v4 =	vadd.s32 v1, v4  }
0xef: {  	[tilespmem:v3+s11+$0x0] =	vst.idx.add.f32.msk $0xffff, v2;
	v3 =	vadd.s32 v1, v5  }
0xf0: {  	v5 =	vld [tilespmem:s17+$0x0]  }
0xf1: {  	[tilespmem:v9+s10+$0x0] =	vst.idx.add.f32.msk $0xffff, v2  }
0xf2: {  	v6 =	vld [tilespmem:s17+$0xFFFFFFA0]  }
0xf3: {  	[tilespmem:v4+s11+$0x0] =	vst.idx.add.f32.msk $0xffff, v2  }
0xf4: {  	s19 =	simm.s32 $0x2F0;
	s18 =	simm.s32 $0x8;
	v4 =	vadd.s32 v1, v10;
	[tilespmem:v3+s10+$0x0] =	vst.idx.add.f32.msk $0xffff, v2;
	v3 =	vadd.s32 v1, v7  }
.LBB2_18:
0xf5: {  	v7 =	vld [tilespmem:s19+$0xFFFFFFF0];
	s18 =	sadd.s32 $0x8, s18;
	v5 =	vadd.s32 v1, v5  }
0xf6: {  	v8 =	vld [tilespmem:s19+$0xFFFFFFB0];
	p0 =	slt.u32 s18, $0x7F8  }
0xf7: {  	v9 =	vld [tilespmem:s19+$0xFFFFFFD0]  }
0xf8: {  	v10 =	vld [tilespmem:s19+$0xFFFFFF90]  }
0xf9: {  	v6 =	vadd.s32 v1, v6;
	v11 =	vld [tilespmem:s17+$0xFFFFFFC0]  }
0xfa: {  	v7 =	vadd.s32 v1, v7;
	[tilespmem:v5+s11+$0x0] =	vst.idx.add.f32.msk $0xffff, v2  }
0xfb: {  	v8 =	vadd.s32 v1, v8;
	v12 =	vld [tilespmem:s17+$0xFFFFFFE0];
	s17 =	smov.u32 s19  }
0xfc: {  	v9 =	vadd.s32 v1, v9;
	[tilespmem:v3+s11+$0x0] =	vst.idx.add.f32.msk $0xffff, v2  }
0xfd: {  	v10 =	vadd.s32 v1, v10;
	[tilespmem:v4+s11+$0x0] =	vst.idx.add.f32.msk $0xffff, v2  }
0xfe: {  	[tilespmem:v6+s11+$0x0] =	vst.idx.add.f32.msk $0xffff, v2;
	v3 =	vadd.s32 v1, v11  }
0xff: {  	[tilespmem:v7+s10+$0x0] =	vst.idx.add.f32.msk $0xffff, v2  }
.Ltmp8:
0x100: {  	v5 =	vld [tilespmem:s19+$0x0];
	v4 =	vadd.s32 v1, v12;
	(pc) =	sbr.rel @p0 .LBB2_18-.Ltmp8, $4  }
0x101: {  	[tilespmem:v8+s10+$0x0] =	vst.idx.add.f32.msk $0xffff, v2  }
0x102: {  	[tilespmem:v10+s10+$0x0] =	vst.idx.add.f32.msk $0xffff, v2  }
0x103: {  	[tilespmem:v9+s10+$0x0] =	vst.idx.add.f32.msk $0xffff, v2  }
0x104: {  	s19 =	sadd.s32 $0x100, s19;
	v6 =	vld [tilespmem:s17+$0xFFFFFFA0]  }
0x105: {  	v7 =	vld [tilespmem:s17+$0xFFFFFFC0]  }
0x106: {  	v5 =	vadd.s32 v1, v5;
	v8 =	vld [tilespmem:s17+$0xFFFFFFE0];
	_ =	sdelay $0x2  }
0x107: {  	v6 =	vadd.s32 v1, v6  }
0x108: {  	v7 =	vadd.s32 v1, v7  }
0x109: {  	[tilespmem:v5+s11+$0x0] =	vst.idx.add.f32.msk $0xffff, v2;
	v5 =	vadd.s32 v1, v8  }
0x10a: {  	[tilespmem:v3+s11+$0x0] =	vst.idx.add.f32.msk $0xffff, v2  }
0x10b: {  	[tilespmem:v4+s11+$0x0] =	vst.idx.add.f32.msk $0xffff, v2  }
0x10c: {  	[tilespmem:v6+s11+$0x0] =	vst.idx.add.f32.msk $0xffff, v2  }
0x10d: {  	[tilespmem:v7+s11+$0x0] =	vst.idx.add.f32.msk $0xffff, v2  }
0x10e: {  	s31 =	simm.s32 $0x11090;
	[tilespmem:v5+s11+$0x0] =	vst.idx.add.f32.msk $0xffff, v2  }
0x10f: {  	v3 =	vld [tilespmem:s31+$0xFFFFEF80]  }
0x110: {  	s18 =	simm.s32 $0x13190;
	v4 =	vld [tilespmem:s31+$0xFFFFEF70]  }
0x111: {  	v5 =	vld [tilespmem:s18+$0xFFFFEF80]  }
0x112: {  	v6 =	vld [tilespmem:s18+$0xFFFFEF70]  }
0x113: {  	v7 =	vld [tilespmem:s31+$0xFFFFF190]  }
0x114: {  	v8 =	vld [tilespmem:s31+$0xFFFFF180];
	v3 =	vadd.f32 $0.0e+00, v3  }
0x115: {  	v9 =	vld [tilespmem:s18+$0xFFFFF190]  }
0x116: {  	v10 =	vld [tilespmem:s18+$0xFFFFF180];
	v4 =	vadd.f32 $0.0e+00, v4;
	v3 =	vadd.f32 v5, v3  }
0x117: {  	v5 =	vld [tilespmem:s31+$0xFFFFF3A0]  }
0x118: {  	v4 =	vadd.f32 v6, v4;
	v6 =	vld [tilespmem:s31+$0xFFFFF390];
	v3 =	vadd.f32 v7, v3  }
0x119: {  	v7 =	vld [tilespmem:s18+$0xFFFFF3A0]  }
0x11a: {  	v4 =	vadd.f32 v8, v4;
	v8 =	vld [tilespmem:s18+$0xFFFFF390];
	v3 =	vadd.f32 v9, v3  }
0x11b: {  	v9 =	vld [tilespmem:s31+$0xFFFFF5B0]  }
0x11c: {  	v4 =	vadd.f32 v10, v4;
	v10 =	vld [tilespmem:s31+$0xFFFFF5A0];
	v3 =	vadd.f32 v5, v3  }
0x11d: {  	v5 =	vld [tilespmem:s18+$0xFFFFF5B0]  }
0x11e: {  	v4 =	vadd.f32 v6, v4;
	v6 =	vld [tilespmem:s18+$0xFFFFF5A0];
	v3 =	vadd.f32 v7, v3  }
0x11f: {  	v7 =	vld [tilespmem:s31+$0xFFFFF7C0]  }
0x120: {  	v4 =	vadd.f32 v8, v4;
	v8 =	vld [tilespmem:s31+$0xFFFFF7B0];
	v3 =	vadd.f32 v9, v3  }
0x121: {  	v9 =	vld [tilespmem:s18+$0xFFFFF7C0]  }
0x122: {  	v4 =	vadd.f32 v10, v4;
	v10 =	vld [tilespmem:s18+$0xFFFFF7B0];
	v3 =	vadd.f32 v5, v3  }
0x123: {  	v5 =	vld [tilespmem:s31+$0xFFFFF9D0]  }
0x124: {  	v4 =	vadd.f32 v6, v4;
	v6 =	vld [tilespmem:s31+$0xFFFFF9C0];
	v3 =	vadd.f32 v7, v3  }
0x125: {  	v7 =	vld [tilespmem:s18+$0xFFFFF9D0]  }
0x126: {  	v4 =	vadd.f32 v8, v4;
	v8 =	vld [tilespmem:s18+$0xFFFFF9C0];
	v3 =	vadd.f32 v9, v3  }
0x127: {  	v9 =	vld [tilespmem:s31+$0xFFFFFBE0]  }
0x128: {  	v4 =	vadd.f32 v10, v4;
	v10 =	vld [tilespmem:s31+$0xFFFFFBD0];
	v3 =	vadd.f32 v5, v3  }
0x129: {  	s19 =	simm.s32 $0x0;
	v5 =	vld [tilespmem:s18+$0xFFFFFBE0]  }
0x12a: {  	s19 =	sand.u32 $0x1E0, s19;
	v4 =	vadd.f32 v6, v4;
	v6 =	vld [tilespmem:s18+$0xFFFFFBD0];
	v3 =	vadd.f32 v7, v3  }
0x12b: {  	v7 =	vld [tilespmem:s19+$0x10E80]  }
0x12c: {  	v4 =	vadd.f32 v8, v4;
	v8 =	vld [tilespmem:s31+$0xFFFFFDE0];
	v3 =	vadd.f32 v9, v3  }
0x12d: {  	v9 =	vld [tilespmem:s19+$0x12F80]  }
0x12e: {  	v4 =	vadd.f32 v10, v4;
	v10 =	vld [tilespmem:s18+$0xFFFFFDE0];
	v3 =	vadd.f32 v5, v3  }
0x12f: {  	v5 =	vld [tilespmem:s31+$0x0]  }
0x130: {  	v4 =	vadd.f32 v6, v4;
	v6 =	vld [tilespmem:s19+$0x11080];
	v3 =	vadd.f32 v7, v3  }
0x131: {  	v7 =	vld [tilespmem:s18+$0x0]  }
0x132: {  	v4 =	vadd.f32 v8, v4;
	v8 =	vld [tilespmem:s19+$0x13180];
	v3 =	vadd.f32 v9, v3  }
0x133: {  	v9 =	vld [tilespmem:s31+$0x210]  }
0x134: {  	v4 =	vadd.f32 v10, v4;
	v10 =	vld [tilespmem:s31+$0x200];
	v3 =	vadd.f32 v5, v3  }
0x135: {  	v5 =	vld [tilespmem:s18+$0x210]  }
0x136: {  	v4 =	vadd.f32 v6, v4;
	v6 =	vld [tilespmem:s18+$0x200];
	v3 =	vadd.f32 v7, v3  }
0x137: {  	v7 =	vld [tilespmem:s31+$0x420]  }
0x138: {  	v4 =	vadd.f32 v8, v4;
	v8 =	vld [tilespmem:s31+$0x410];
	v3 =	vadd.f32 v9, v3  }
0x139: {  	v9 =	vld [tilespmem:s18+$0x420]  }
0x13a: {  	v4 =	vadd.f32 v10, v4;
	v10 =	vld [tilespmem:s18+$0x410];
	v3 =	vadd.f32 v5, v3  }
0x13b: {  	v5 =	vld [tilespmem:s31+$0x630]  }
0x13c: {  	v4 =	vadd.f32 v6, v4;
	v6 =	vld [tilespmem:s31+$0x620];
	v3 =	vadd.f32 v7, v3  }
0x13d: {  	v7 =	vld [tilespmem:s18+$0x630]  }
0x13e: {  	v4 =	vadd.f32 v8, v4;
	v8 =	vld [tilespmem:s18+$0x620];
	v3 =	vadd.f32 v9, v3  }
0x13f: {  	v9 =	vld [tilespmem:s31+$0x840]  }
0x140: {  	v4 =	vadd.f32 v10, v4;
	v10 =	vld [tilespmem:s31+$0x830];
	v3 =	vadd.f32 v5, v3  }
0x141: {  	v5 =	vld [tilespmem:s18+$0x840]  }
0x142: {  	v4 =	vadd.f32 v6, v4;
	v6 =	vld [tilespmem:s18+$0x830];
	v3 =	vadd.f32 v7, v3  }
0x143: {  	v7 =	vld [tilespmem:s31+$0xA50]  }
0x144: {  	v4 =	vadd.f32 v8, v4;
	v8 =	vld [tilespmem:s31+$0xA40];
	v3 =	vadd.f32 v9, v3  }
0x145: {  	v9 =	vld [tilespmem:s18+$0xA50]  }
0x146: {  	v11 =	vld [tilespmem:s31+$0xC60];
	v4 =	vadd.f32 v10, v4;
	v3 =	vadd.f32 v5, v3  }
0x147: {  	v10 =	vld [tilespmem:s18+$0xA40]  }
0x148: {  	v12 =	vld [tilespmem:s31+$0xC50];
	v4 =	vadd.f32 v6, v4;
	v3 =	vadd.f32 v7, v3  }
0x149: {  	p1 =	por $0x1, $0x1;
	v13 =	vld [tilespmem:s18+$0xC60]  }
.Ltmp9:
0x14a: {  	v5 =	vadd.f32 v8, v4;
	v4 =	vld [tilespmem:s18+$0xC50];
	v6 =	vadd.f32 v9, v3;
	(pc) =	sbr.rel @!p1 .LBB2_20-.Ltmp9, $4  }
0x14b: {  	v3 =	vld [tilespmem:s19+$0x11F00]  }
0x14c: {  	v7 =	vadd.f32 v10, v5;
	v5 =	vld [tilespmem:s31+$0xE60];
	v8 =	vadd.f32 v11, v6  }
0x14d: {  	v6 =	vld [tilespmem:s19+$0x14000]  }
0x14e: {  	s17 =	simm.s32 $0x14210;
	s20 =	simm.s32 $0x110B0;
	p0 =	por $0x0, $0x0;
	v9 =	vadd.f32 v12, v7;
	v7 =	vld [tilespmem:s18+$0xE60];
	v8 =	vadd.f32 v13, v8  }
0x14f: {  	v10 =	vld [tilespmem:s20+$0xFFFFEF80]  }
0x150: {  	v11 =	vld [tilespmem:s20+$0xFFFFEF70];
	s18 =	simm.s32 $0x131B0  }
0x151: {  	v12 =	vld [tilespmem:s18+$0xFFFFEF80]  }
0x152: {  	v13 =	vld [tilespmem:s18+$0xFFFFEF70]  }
0x153: {  	v14 =	vld [tilespmem:s20+$0xFFFFF190]  }
0x154: {  	v15 =	vld [tilespmem:s20+$0xFFFFF180];
	v10 =	vadd.f32 $0.0e+00, v10  }
0x155: {  	v16 =	vld [tilespmem:s18+$0xFFFFF190];
	v11 =	vadd.f32 $0.0e+00, v11  }
0x156: {  	v17 =	vld [tilespmem:s18+$0xFFFFF180];
	v10 =	vadd.f32 v12, v10  }
0x157: {  	v59 =	vld [tilespmem:s20+$0xFFFFF3A0];
	v11 =	vadd.f32 v13, v11  }
0x158: {  	v60 =	vld [tilespmem:s20+$0xFFFFF390];
	v10 =	vadd.f32 v14, v10  }
0x159: {  	v61 =	vld [tilespmem:s18+$0xFFFFF3A0];
	v11 =	vadd.f32 v15, v11  }
0x15a: {  	v62 =	vld [tilespmem:s18+$0xFFFFF390];
	v10 =	vadd.f32 v16, v10  }
0x15b: {  	v63 =	vld [tilespmem:s20+$0xFFFFF5B0];
	v11 =	vadd.f32 v17, v11  }
0x15c: {  	v20 =	vld [tilespmem:s20+$0xFFFFF5A0];
	v10 =	vadd.f32 v59, v10  }
0x15d: {  	v21 =	vld [tilespmem:s18+$0xFFFFF5B0];
	v11 =	vadd.f32 v60, v11  }
0x15e: {  	v22 =	vld [tilespmem:s18+$0xFFFFF5A0];
	v10 =	vadd.f32 v61, v10  }
0x15f: {  	v23 =	vld [tilespmem:s20+$0xFFFFF7C0];
	v11 =	vadd.f32 v62, v11  }
0x160: {  	v24 =	vld [tilespmem:s20+$0xFFFFF7B0];
	v10 =	vadd.f32 v63, v10  }
0x161: {  	v25 =	vld [tilespmem:s18+$0xFFFFF7C0];
	v11 =	vadd.f32 v20, v11  }
0x162: {  	v26 =	vld [tilespmem:s18+$0xFFFFF7B0];
	v10 =	vadd.f32 v21, v10  }
0x163: {  	v27 =	vld [tilespmem:s20+$0xFFFFF9D0];
	v11 =	vadd.f32 v22, v11  }
0x164: {  	v28 =	vld [tilespmem:s20+$0xFFFFF9C0];
	v10 =	vadd.f32 v23, v10  }
0x165: {  	v29 =	vld [tilespmem:s18+$0xFFFFF9D0];
	v11 =	vadd.f32 v24, v11  }
0x166: {  	v30 =	vld [tilespmem:s18+$0xFFFFF9C0];
	v10 =	vadd.f32 v25, v10  }
0x167: {  	v31 =	vld [tilespmem:s20+$0xFFFFFBE0];
	v11 =	vadd.f32 v26, v11  }
0x168: {  	v32 =	vld [tilespmem:s20+$0xFFFFFBD0];
	v10 =	vadd.f32 v27, v10  }
0x169: {  	s19 =	simm.s32 $0x20;
	v33 =	vld [tilespmem:s18+$0xFFFFFBE0];
	v11 =	vadd.f32 v28, v11  }
0x16a: {  	v34 =	vld [tilespmem:s18+$0xFFFFFBD0];
	s21 =	sand.u32 $0x1E0, s19;
	v10 =	vadd.f32 v29, v10  }
0x16b: {  	v35 =	vld [tilespmem:s21+$0x10E80];
	v11 =	vadd.f32 v30, v11  }
0x16c: {  	v36 =	vld [tilespmem:s20+$0xFFFFFDE0];
	v10 =	vadd.f32 v31, v10  }
0x16d: {  	v37 =	vld [tilespmem:s21+$0x12F80];
	v11 =	vadd.f32 v32, v11  }
0x16e: {  	v38 =	vld [tilespmem:s18+$0xFFFFFDE0];
	v10 =	vadd.f32 v33, v10  }
0x16f: {  	v39 =	vld [tilespmem:s20+$0x0];
	v11 =	vadd.f32 v34, v11  }
0x170: {  	v40 =	vld [tilespmem:s21+$0x11080];
	v10 =	vadd.f32 v35, v10  }
0x171: {  	v41 =	vld [tilespmem:s18+$0x0];
	v11 =	vadd.f32 v36, v11  }
0x172: {  	v42 =	vld [tilespmem:s21+$0x13180];
	v10 =	vadd.f32 v37, v10  }
0x173: {  	v43 =	vld [tilespmem:s20+$0x210];
	v11 =	vadd.f32 v38, v11  }
0x174: {  	v44 =	vld [tilespmem:s20+$0x200];
	v10 =	vadd.f32 v39, v10  }
0x175: {  	v45 =	vld [tilespmem:s18+$0x210];
	v11 =	vadd.f32 v40, v11  }
0x176: {  	v46 =	vld [tilespmem:s18+$0x200];
	v10 =	vadd.f32 v41, v10  }
0x177: {  	v47 =	vld [tilespmem:s20+$0x420];
	v11 =	vadd.f32 v42, v11  }
0x178: {  	v48 =	vld [tilespmem:s20+$0x410];
	v10 =	vadd.f32 v43, v10  }
0x179: {  	v49 =	vld [tilespmem:s18+$0x420];
	v11 =	vadd.f32 v44, v11  }
0x17a: {  	v50 =	vld [tilespmem:s18+$0x410];
	v10 =	vadd.f32 v45, v10  }
0x17b: {  	v51 =	vld [tilespmem:s20+$0x630];
	v11 =	vadd.f32 v46, v11  }
0x17c: {  	v52 =	vld [tilespmem:s20+$0x620];
	v10 =	vadd.f32 v47, v10  }
0x17d: {  	v53 =	vld [tilespmem:s18+$0x630];
	v11 =	vadd.f32 v48, v11  }
0x17e: {  	v54 =	vld [tilespmem:s18+$0x620];
	v10 =	vadd.f32 v49, v10  }
0x17f: {  	v55 =	vld [tilespmem:s20+$0x840];
	v11 =	vadd.f32 v50, v11  }
0x180: {  	v56 =	vld [tilespmem:s20+$0x830];
	v10 =	vadd.f32 v51, v10  }
0x181: {  	v57 =	vld [tilespmem:s18+$0x840];
	v11 =	vadd.f32 v52, v11  }
0x182: {  	v58 =	vld [tilespmem:s18+$0x830];
	v10 =	vadd.f32 v53, v10  }
0x183: {  	v59 =	vld [tilespmem:s20+$0xA50];
	v11 =	vadd.f32 v54, v11  }
0x184: {  	v60 =	vld [tilespmem:s20+$0xA40];
	v10 =	vadd.f32 v55, v10  }
0x185: {  	v61 =	vld [tilespmem:s18+$0xA50];
	v11 =	vadd.f32 v56, v11  }
0x186: {  	v62 =	vld [tilespmem:s18+$0xA40];
	v10 =	vadd.f32 v57, v10  }
0x187: {  	v4 =	vadd.f32 v4, v9;
	v9 =	vld [tilespmem:s20+$0xC60];
	v11 =	vadd.f32 v58, v11  }
0x188: {  	v63 =	vld [tilespmem:s20+$0xC50];
	v10 =	vadd.f32 v59, v10  }
0x189: {  	p1 =	por $0x1, $0x1;
	v3 =	vadd.f32 v3, v8;
	v8 =	vld [tilespmem:s18+$0xC60];
	v11 =	vadd.f32 v60, v11  }
.Ltmp10:
0x18a: {  	v5 =	vadd.f32 v5, v4;
	v4 =	vld [tilespmem:s18+$0xC50];
	v10 =	vadd.f32 v61, v10;
	(pc) =	sbr.rel @!p1 .LBB2_22-.Ltmp10, $4  }
0x18b: {  	v6 =	vadd.f32 v6, v3;
	v3 =	vld [tilespmem:s21+$0x11F00];
	v11 =	vadd.f32 v62, v11  }
0x18c: {  	v7 =	vadd.f32 v7, v5;
	v5 =	vld [tilespmem:s20+$0xE60];
	v10 =	vadd.f32 v9, v10  }
0x18d: {  	s22 =	simm.s32 $0x110D0;
	[tilespmem:s17+$0x0] =	vst v6;
	v6 =	vld [tilespmem:s21+$0x14000];
	v9 =	vadd.f32 v63, v11  }
0x18e: {  	p0 =	por $0x1, $0x1;
	s21 =	simm.s32 $0x14210;
	[tilespmem:s17+$0xFFFFFFF0] =	vst v7;
	v7 =	vld [tilespmem:s18+$0xE60];
	s20 =	simm.s32 $0x2;
	v8 =	vadd.f32 v8, v10  }
.LBB2_23:
0x18f: {  	v10 =	vld [tilespmem:s22+$0xFFFFEF80];
	s20 =	sadd.s32 $0x2, s20;
	v4 =	vadd.f32 v4, v9  }
0x190: {  	s18 =	sadd.s32 $0x20, s18;
	v9 =	vld [tilespmem:s22+$0xFFFFEF70];
	p1 =	slt.u32 s20, $0x1E;
	v3 =	vadd.f32 v3, v8  }
0x191: {  	v8 =	vld [tilespmem:s18+$0xFFFFEF80];
	v4 =	vadd.f32 v5, v4  }
0x192: {  	v5 =	vld [tilespmem:s18+$0xFFFFEF70];
	v3 =	vadd.f32 v6, v3  }
0x193: {  	s21 =	sadd.s32 $0x20, s21;
	v6 =	vld [tilespmem:s22+$0xFFFFF190];
	v4 =	vadd.f32 v7, v4  }
0x194: {  	v7 =	vld [tilespmem:s22+$0xFFFFF180];
	v10 =	vadd.f32 $0.0e+00, v10;
	[tilespmem:s21+$0x0] =	vst v3  }
0x195: {  	v3 =	vadd.f32 $0.0e+00, v9;
	v9 =	vld [tilespmem:s18+$0xFFFFF190];
	[tilespmem:s21+$0xFFFFFFF0] =	vst v4  }
0x196: {  	v4 =	vld [tilespmem:s18+$0xFFFFF180];
	v8 =	vadd.f32 v8, v10  }
0x197: {  	v3 =	vadd.f32 v5, v3;
	v5 =	vld [tilespmem:s22+$0xFFFFF3A0]  }
0x198: {  	v10 =	vld [tilespmem:s22+$0xFFFFF390];
	v6 =	vadd.f32 v6, v8  }
0x199: {  	v3 =	vadd.f32 v7, v3;
	v7 =	vld [tilespmem:s18+$0xFFFFF3A0]  }
0x19a: {  	v8 =	vld [tilespmem:s18+$0xFFFFF390];
	v6 =	vadd.f32 v9, v6  }
0x19b: {  	v3 =	vadd.f32 v4, v3;
	v4 =	vld [tilespmem:s22+$0xFFFFF5B0]  }
0x19c: {  	v9 =	vld [tilespmem:s22+$0xFFFFF5A0];
	v5 =	vadd.f32 v5, v6  }
0x19d: {  	v3 =	vadd.f32 v10, v3;
	v6 =	vld [tilespmem:s18+$0xFFFFF5B0]  }
0x19e: {  	v10 =	vld [tilespmem:s18+$0xFFFFF5A0];
	v5 =	vadd.f32 v7, v5  }
0x19f: {  	v3 =	vadd.f32 v8, v3;
	v7 =	vld [tilespmem:s22+$0xFFFFF7C0]  }
0x1a0: {  	v8 =	vld [tilespmem:s22+$0xFFFFF7B0];
	v4 =	vadd.f32 v4, v5  }
0x1a1: {  	v3 =	vadd.f32 v9, v3;
	v5 =	vld [tilespmem:s18+$0xFFFFF7C0]  }
0x1a2: {  	v9 =	vld [tilespmem:s18+$0xFFFFF7B0];
	v4 =	vadd.f32 v6, v4  }
0x1a3: {  	v3 =	vadd.f32 v10, v3;
	v6 =	vld [tilespmem:s22+$0xFFFFF9D0]  }
0x1a4: {  	v10 =	vld [tilespmem:s22+$0xFFFFF9C0];
	v4 =	vadd.f32 v7, v4  }
0x1a5: {  	v3 =	vadd.f32 v8, v3;
	v7 =	vld [tilespmem:s18+$0xFFFFF9D0]  }
0x1a6: {  	v8 =	vld [tilespmem:s18+$0xFFFFF9C0];
	v4 =	vadd.f32 v5, v4  }
0x1a7: {  	v3 =	vadd.f32 v9, v3;
	v5 =	vld [tilespmem:s22+$0xFFFFFBE0]  }
0x1a8: {  	v9 =	vld [tilespmem:s22+$0xFFFFFBD0];
	v4 =	vadd.f32 v6, v4  }
0x1a9: {  	s19 =	sadd.s32 $0x20, s19;
	v3 =	vadd.f32 v10, v3;
	v6 =	vld [tilespmem:s18+$0xFFFFFBE0]  }
0x1aa: {  	s23 =	sand.u32 $0x1E0, s19;
	v10 =	vld [tilespmem:s18+$0xFFFFFBD0];
	v4 =	vadd.f32 v7, v4  }
0x1ab: {  	v3 =	vadd.f32 v8, v3;
	v7 =	vld [tilespmem:s23+$0x10E80]  }
0x1ac: {  	v8 =	vld [tilespmem:s22+$0xFFFFFDE0];
	v4 =	vadd.f32 v5, v4  }
0x1ad: {  	v3 =	vadd.f32 v9, v3;
	v5 =	vld [tilespmem:s23+$0x12F80]  }
0x1ae: {  	v9 =	vld [tilespmem:s18+$0xFFFFFDE0];
	v4 =	vadd.f32 v6, v4  }
0x1af: {  	v3 =	vadd.f32 v10, v3;
	v6 =	vld [tilespmem:s22+$0x0]  }
0x1b0: {  	v10 =	vld [tilespmem:s23+$0x11080];
	v4 =	vadd.f32 v7, v4  }
0x1b1: {  	v3 =	vadd.f32 v8, v3;
	v7 =	vld [tilespmem:s18+$0x0]  }
0x1b2: {  	v8 =	vld [tilespmem:s23+$0x13180];
	v4 =	vadd.f32 v5, v4  }
0x1b3: {  	v3 =	vadd.f32 v9, v3;
	v5 =	vld [tilespmem:s22+$0x210]  }
0x1b4: {  	v9 =	vld [tilespmem:s22+$0x200];
	v4 =	vadd.f32 v6, v4  }
0x1b5: {  	v3 =	vadd.f32 v10, v3;
	v6 =	vld [tilespmem:s18+$0x210]  }
0x1b6: {  	v10 =	vld [tilespmem:s18+$0x200];
	v4 =	vadd.f32 v7, v4  }
0x1b7: {  	v3 =	vadd.f32 v8, v3;
	v7 =	vld [tilespmem:s22+$0x420]  }
0x1b8: {  	v8 =	vld [tilespmem:s22+$0x410];
	v4 =	vadd.f32 v5, v4  }
0x1b9: {  	v3 =	vadd.f32 v9, v3;
	v5 =	vld [tilespmem:s18+$0x420]  }
0x1ba: {  	v9 =	vld [tilespmem:s18+$0x410];
	v4 =	vadd.f32 v6, v4  }
0x1bb: {  	v3 =	vadd.f32 v10, v3;
	v6 =	vld [tilespmem:s22+$0x630]  }
0x1bc: {  	v10 =	vld [tilespmem:s22+$0x620];
	v4 =	vadd.f32 v7, v4  }
0x1bd: {  	v3 =	vadd.f32 v8, v3;
	v7 =	vld [tilespmem:s18+$0x630]  }
0x1be: {  	v8 =	vld [tilespmem:s18+$0x620];
	v4 =	vadd.f32 v5, v4  }
0x1bf: {  	v3 =	vadd.f32 v9, v3;
	v5 =	vld [tilespmem:s22+$0x840]  }
0x1c0: {  	v9 =	vld [tilespmem:s22+$0x830];
	v4 =	vadd.f32 v6, v4  }
0x1c1: {  	v3 =	vadd.f32 v10, v3;
	v6 =	vld [tilespmem:s18+$0x840]  }
0x1c2: {  	v10 =	vld [tilespmem:s18+$0x830];
	v4 =	vadd.f32 v7, v4  }
0x1c3: {  	v3 =	vadd.f32 v8, v3;
	v7 =	vld [tilespmem:s22+$0xA50]  }
0x1c4: {  	v8 =	vld [tilespmem:s22+$0xA40];
	v4 =	vadd.f32 v5, v4  }
0x1c5: {  	v3 =	vadd.f32 v9, v3;
	v5 =	vld [tilespmem:s18+$0xA50]  }
0x1c6: {  	v9 =	vld [tilespmem:s18+$0xA40];
	v4 =	vadd.f32 v6, v4  }
0x1c7: {  	v3 =	vadd.f32 v10, v3;
	v6 =	vld [tilespmem:s22+$0xC60]  }
0x1c8: {  	v10 =	vld [tilespmem:s22+$0xC50];
	v7 =	vadd.f32 v7, v4  }
0x1c9: {  	v3 =	vadd.f32 v8, v3;
	v8 =	vld [tilespmem:s18+$0xC60]  }
.Ltmp11:
0x1ca: {  	v4 =	vld [tilespmem:s18+$0xC50];
	v7 =	vadd.f32 v5, v7;
	(pc) =	sbr.rel @p1 .LBB2_23-.Ltmp11, $4  }
0x1cb: {  	v9 =	vadd.f32 v9, v3;
	v3 =	vld [tilespmem:s23+$0x11F00]  }
0x1cc: {  	v5 =	vld [tilespmem:s22+$0xE60];
	v11 =	vadd.f32 v6, v7  }
0x1cd: {  	v9 =	vadd.f32 v10, v9;
	v6 =	vld [tilespmem:s23+$0x14000]  }
0x1ce: {  	s22 =	sadd.s32 $0x20, s22;
	v7 =	vld [tilespmem:s18+$0xE60];
	v8 =	vadd.f32 v8, v11  }
.LBB2_24:
0x1cf: {  	v4 =	vadd.f32 v4, v9  }
0x1d0: {  	v3 =	vadd.f32 v3, v8  }
0x1d1: {  	v4 =	vadd.f32 v5, v4  }
0x1d2: {  	s18 =	sadd.s32 @p0 $0x20, s21;
	v3 =	vadd.f32 v6, v3  }
0x1d3: {  	s17 =	smov.u32 @p0 s18;
	v4 =	vadd.f32 v7, v4  }
0x1d4: {  	[tilespmem:s17+$0x0] =	vst v3  }
0x1d5: {  	[tilespmem:s17+$0xFFFFFFF0] =	vst v4  }
0x1d6: {  	v3 =	vld [tilespmem:$0x10200];
	_ =	sdelay $0x1  }
0x1d7: {  	v4 =	vld [tilespmem:$0x12300];
	_ =	sdelay $0x1  }
0x1d8: {  	v34 =	vld [tilespmem:$0x10410]  }
0x1d9: {  	v3 =	vadd.f32 $0.0e+00, v3  }
0x1da: {  	v35 =	vld [tilespmem:$0x12510]  }
0x1db: {  	v3 =	vadd.f32 v4, v3  }
0x1dc: {  	v36 =	vld [tilespmem:$0x10620]  }
0x1dd: {  	v3 =	vadd.f32 v34, v3  }
0x1de: {  	v37 =	vld [tilespmem:$0x12720]  }
0x1df: {  	v3 =	vadd.f32 v35, v3  }
0x1e0: {  	v38 =	vld [tilespmem:$0x10830]  }
0x1e1: {  	v3 =	vadd.f32 v36, v3  }
0x1e2: {  	v39 =	vld [tilespmem:$0x12930]  }
0x1e3: {  	v3 =	vadd.f32 v37, v3  }
0x1e4: {  	v40 =	vld [tilespmem:$0x10A40]  }
0x1e5: {  	v3 =	vadd.f32 v38, v3  }
0x1e6: {  	v41 =	vld [tilespmem:$0x12B40]  }
0x1e7: {  	v3 =	vadd.f32 v39, v3  }
0x1e8: {  	v42 =	vld [tilespmem:$0x10C50]  }
0x1e9: {  	v3 =	vadd.f32 v40, v3  }
0x1ea: {  	v43 =	vld [tilespmem:$0x12D50]  }
0x1eb: {  	v3 =	vadd.f32 v41, v3  }
0x1ec: {  	v44 =	vld [tilespmem:$0x10E60]  }
0x1ed: {  	v3 =	vadd.f32 v42, v3  }
0x1ee: {  	v45 =	vld [tilespmem:$0x12F60]  }
0x1ef: {  	v3 =	vadd.f32 v43, v3  }
0x1f0: {  	v46 =	vld [tilespmem:$0x11070]  }
0x1f1: {  	v3 =	vadd.f32 v44, v3  }
0x1f2: {  	v47 =	vld [tilespmem:$0x13170]  }
0x1f3: {  	v3 =	vadd.f32 v45, v3  }
0x1f4: {  	v48 =	vld [tilespmem:$0x11280]  }
0x1f5: {  	v3 =	vadd.f32 v46, v3  }
0x1f6: {  	v49 =	vld [tilespmem:$0x13380]  }
0x1f7: {  	v3 =	vadd.f32 v47, v3  }
0x1f8: {  	v50 =	vld [tilespmem:$0x11490]  }
0x1f9: {  	v3 =	vadd.f32 v48, v3  }
0x1fa: {  	v51 =	vld [tilespmem:$0x13590]  }
0x1fb: {  	v3 =	vadd.f32 v49, v3  }
0x1fc: {  	v52 =	vld [tilespmem:$0x116A0]  }
0x1fd: {  	v3 =	vadd.f32 v50, v3  }
0x1fe: {  	v53 =	vld [tilespmem:$0x137A0]  }
0x1ff: {  	v3 =	vadd.f32 v51, v3  }
0x200: {  	v54 =	vld [tilespmem:$0x118B0]  }
0x201: {  	v3 =	vadd.f32 v52, v3  }
0x202: {  	v55 =	vld [tilespmem:$0x139B0]  }
0x203: {  	v3 =	vadd.f32 v53, v3  }
0x204: {  	v56 =	vld [tilespmem:$0x11AC0]  }
0x205: {  	v3 =	vadd.f32 v54, v3  }
0x206: {  	v57 =	vld [tilespmem:$0x13BC0]  }
0x207: {  	v3 =	vadd.f32 v55, v3  }
0x208: {  	v58 =	vld [tilespmem:$0x11CD0]  }
0x209: {  	v3 =	vadd.f32 v56, v3  }
0x20a: {  	v59 =	vld [tilespmem:$0x13DD0]  }
0x20b: {  	v3 =	vadd.f32 v57, v3  }
0x20c: {  	v60 =	vld [tilespmem:$0x11EE0]  }
0x20d: {  	v3 =	vadd.f32 v58, v3  }
0x20e: {  	v61 =	vld [tilespmem:$0x13FE0]  }
0x20f: {  	v3 =	vadd.f32 v59, v3  }
0x210: {  	v62 =	vld [tilespmem:$0x120F0]  }
0x211: {  	v3 =	vadd.f32 v60, v3  }
0x212: {  	v63 =	vld [tilespmem:$0x141F0]  }
0x213: {  	v3 =	vadd.f32 v61, v3;
	_ =	sdelay $0x1  }
0x214: {  	v3 =	vadd.f32 v62, v3;
	_ =	sdelay $0x1  }
0x215: {  	v3 =	vadd.f32 v63, v3  }
0x216: {  	s16 =	sadd.s32 $0x1, s16  }
0x217: {  	p0 =	sne.s32 s16, s8;
	[tilespmem:$0x14400] =	vst v3  }
0x218: {  	[hbm4b:s7+s12] =	stream.strided.scatter [tilespmem:s14], [sflag:$0x2], $0x280, s13, s12, $0x38;
	[tilespmem:$0x14480] =	vst v63  }
.Ltmp12:
0x219: {  	_ = 	snop;
	(pc) =	sbr.rel @p0 .LBB2_1-.Ltmp12, $4  }
.Ltmp13:
0x21a: {  	_ = 	snop;
	(pc) =	sbr.rel @!p0 .LBB2_25-.Ltmp13, $4  }
0x21b: {  	_ =	swait.ge [sflag:s15], $0x280  }
0x21c: {  	[sflag:s15] =	ssyncset.done $0x0  }
0x21d: {  	[sflag:s15] =	ssyncadd.s32 $0xFFFFFD80  }
0x21e: {  	_ = 	snop  }
.LBB2_20:
.Ltmp14:
0x21f: {  	(pc) =	sbr.rel .LBB2_24-.Ltmp14, $2  }
0x220: {  	_ =	sdelay $0x2  }
0x221: {  	s21 =	simm.s32 $0x14210  }
.LBB2_22:
.Ltmp15:
0x222: {  	(pc) =	sbr.rel .LBB2_24-.Ltmp15, $2  }
0x223: {  	_ =	sdelay $0x2  }
0x224: {  	s21 =	simm.s32 $0x14210  }
.LBB2_25:
0x225: {  	_ =	sfence.sel $0x180000  }
0x226: {  	[bflag:$0x0] =	sbarrier.arrive $0xFFFF  }
0x227: {  	p0 =	sne.s32 s1, $0x0;
	_ =	strace $0x90000047  }
0x228: {  	s0 =	sadd.s32 @!p0 $0x100000, s0;
	[bflag:$0x2] =	sbarrier.arrive $0xFFFF  }
0x229: {  	[sflag:s0] =	ssyncadd.tile.s32 @!p0 $0x1;
	_ =	shalt  }
.Lfunc_end2:
_tile_overlayer_lowered:
.L_overlay_start_2:
0x22a: {  	(tag) =	ssettag $0x2  }
0x22b: {  	s0 =	rddreg [dreg:$0x0];
	s2 =	stileid.u32  }
0x22c: {  	s1 =	rddreg [dreg:$0x1];
	p0 =	sne.s32 s2, $0x0  }
0x22d: {  	s3 =	rddreg [dreg:$0x2];
	[bflag:$0x3] =	sbarrier.arrive $0xFFFF;
	s2 =	simm.s32 @!p0 $0x1C02  }
0x22e: {  	[timem:s3], [sflag:s2] =	dma.local @!p0 [hbm:s0], s1  }
0x22f: {  	s0 =	simm.s32 @!p0 $0x2  }
0x230: {  	_ =	swait.ge @!p0 [sflag:s0], s1  }
0x231: {  	s1 =	ssub.s32 @!p0 $0x0, s1;
	[sflag:s0] =	ssyncset.done @!p0 $0x0  }
0x232: {  	[sflag:s0] =	ssyncadd.s32 @!p0 s1  }
0x233: {  	[bflag:$0x3] =	sbarrier.arrive $0xFFFF  }
0x234: {  	_ =	shalt  }

</sc_bundles>
